<compile_context>
chip_gen: v7x
topology: tpu7x:2x2x1
jax: 0.10.2.dev20260603
libtpu: 0.0.44.dev20260713+nightly
codegen_flags: <defaults>
</compile_context>

<pallas_src>
import functools

import jax
import jax.numpy as jnp
from jax import lax
from jax.experimental import pallas as pl
from jax.experimental.pallas import tpu as pltpu
from jax.experimental.pallas import tpu_sc as plsc

_B, _N, _M = 4, 1024, 1024
_SROW = _M + 1
_GAMMA = 0.5
_LAMDA = 0.5

_NTILES = 32
_CHUNK = (_B * _N) // _NTILES


@functools.cache
def _make_sc_gather():
    mesh = plsc.VectorSubcoreMesh(core_axis_name="c", subcore_axis_name="s")
    return functools.partial(
        pl.kernel,
        mesh=mesh,
        out_type=jax.ShapeDtypeStruct((4, _B * _N), jnp.float32),
        scratch_types=[
            pltpu.VMEM((_CHUNK,), jnp.int32),
            pltpu.VMEM((_CHUNK,), jnp.int32),
            pltpu.VMEM((_CHUNK,), jnp.int32),
            pltpu.VMEM((_CHUNK,), jnp.float32),
            pltpu.SemaphoreType.DMA,
        ],
    )(_sc_gather_body)


def _sc_gather_body(scores_hbm, dist_hbm, gt0_hbm, gt1_hbm, out_hbm,
                    gt0_v, gt1_v, idx_v, val_v, sem):
    wid = lax.axis_index("s") * 2 + lax.axis_index("c")
    base_g = wid * _CHUNK
    b = base_g // _N
    p0 = base_g - b * _N
    pltpu.sync_copy(gt0_hbm.at[pl.ds(base_g, _CHUNK)], gt0_v)
    pltpu.sync_copy(gt1_hbm.at[pl.ds(base_g, _CHUNK)], gt1_v)
    sbase = b * (_SROW * _SROW)
    dbase = b * (_N * _M)

    def run_task(row, table_hbm, idx_fn):
        for k in range(_CHUNK // 16):
            sl = pl.ds(k * 16, 16)
            pos = p0 + k * 16 + lax.iota(jnp.int32, 16)
            idx_v[sl] = idx_fn(pos, gt0_v[sl], gt1_v[sl]) & 4095
        pltpu.async_copy(table_hbm.at[idx_v], val_v, sem).wait()
        pltpu.sync_copy(val_v, out_hbm.at[jnp.int32(row), pl.ds(base_g, _CHUNK)])

    run_task(0, scores_hbm, lambda pos, g0, g1: sbase + pos * _SROW + g0)
    run_task(1, scores_hbm, lambda pos, g0, g1: sbase + g1 * _SROW + pos)
    run_task(2, dist_hbm, lambda pos, g0, g1: dbase + pos * _M + g0)
    run_task(3, dist_hbm, lambda pos, g0, g1: dbase + g1 * _M + pos)


def _i32(v):
    return jnp.int32(v)


_RB = 256
_NRB = 5
_KCNT = float(2 * _B * _N * (_M - 1))


def _tc_body(s_ref, d_ref, sp0_ref, dp0_ref, sp1_ref, dp1_ref, out_ref,
             colT, colC, colS, colQ, acc):
    b = pl.program_id(0)
    rb = pl.program_id(1)

    @pl.when(jnp.logical_and(b == 0, rb == 0))
    def _init_acc():
        acc[0] = 0.0
        acc[1] = 0.0
        acc[2] = 0.0
        acc[3] = 0.0
        acc[4] = 0.0

    @pl.when(rb == 0)
    def _init_cols():
        z = jnp.zeros((1, _M), jnp.float32)
        colT[...] = z
        colC[...] = z
        colS[...] = z
        colQ[...] = z
        acc[4] += jnp.sum(sp1_ref[0])

    S = s_ref[0]
    rowid = rb * _RB + lax.broadcasted_iota(jnp.int32, (_RB, 1), 0)

    sp0 = sp0_ref[0]
    x = (S - sp0) + _GAMMA
    T0 = jnp.sum(jnp.maximum(x, 0.0), axis=1, keepdims=True)
    C0 = jnp.sum((x > 0.0).astype(jnp.float32), axis=1, keepdims=True)
    rowterm = (T0 - _GAMMA) / jnp.maximum(C0 - 1.0, 1.0)
    acc[0] += jnp.sum(jnp.where(rowid < _N, rowterm, 0.0))

    sp1 = sp1_ref[0]
    y = (S[:, :_M] - sp1) + _GAMMA
    vmask = rowid < _N + 1
    colT[...] += jnp.sum(jnp.where(vmask, jnp.maximum(y, 0.0), 0.0),
                         axis=0, keepdims=True)
    colC[...] += jnp.sum(jnp.where(vmask, (y > 0.0).astype(jnp.float32), 0.0),
                         axis=0, keepdims=True)

    @pl.when(rb < _NRB - 1)
    def _dist():
        D = d_ref[0]
        D2 = D * D
        dp0 = dp0_ref[0]
        RS = jnp.sum(D, axis=1, keepdims=True)
        RQ = jnp.sum(D2, axis=1, keepdims=True)
        acc[2] += jnp.sum(float(_M) * dp0 - RS)
        acc[3] += jnp.sum(float(_M) * dp0 * dp0 - 2.0 * dp0 * RS + RQ)
        colS[...] += jnp.sum(D, axis=0, keepdims=True)
        colQ[...] += jnp.sum(D2, axis=0, keepdims=True)

    @pl.when(rb == _NRB - 1)
    def _fin_cols():
        colterm = (colT[...] - _GAMMA) / jnp.maximum(colC[...] - 1.0, 1.0)
        acc[1] += jnp.sum(colterm)
        dp1 = dp1_ref[0]
        CS = colS[...]
        CQ = colQ[...]
        acc[2] += jnp.sum(float(_N) * dp1 - CS)
        acc[3] += jnp.sum(float(_N) * dp1 * dp1 - 2.0 * dp1 * CS + CQ)

    @pl.when(jnp.logical_and(b == _B - 1, rb == _NRB - 1))
    def _final():
        denom = float(_B * _N)
        gap_total = (acc[0] / denom + acc[1] / denom) * 0.5
        ot_loss = -acc[4] / denom
        mean_margin = acc[2] / _KCNT
        var_loss = (acc[3] - acc[2] * acc[2] / _KCNT) / (_KCNT - 1.0)
        aml = jnp.exp(mean_margin)
        loss = ((ot_loss + aml + var_loss) * (1.0 - _LAMDA)
                + (gap_total + var_loss) * _LAMDA)
        out_ref[...] = jnp.reshape(loss, (1, 1))


_tc_call_kwargs = dict(
    grid=(_B, _NRB),
    in_specs=[
        pl.BlockSpec((1, _RB, _SROW), lambda b, rb: (b, rb, _i32(0))),
        pl.BlockSpec((1, _RB, _M),
                     lambda b, rb: (b, jnp.minimum(rb, _NRB - 2).astype(jnp.int32),
                                    _i32(0))),
        pl.BlockSpec((1, _RB, 1), lambda b, rb: (b, rb, _i32(0))),
        pl.BlockSpec((1, _RB, 1), lambda b, rb: (b, rb, _i32(0))),
        pl.BlockSpec((1, 1, _M), lambda b, rb: (b, _i32(0), _i32(0))),
        pl.BlockSpec((1, 1, _M), lambda b, rb: (b, _i32(0), _i32(0))),
    ],
    out_specs=pl.BlockSpec((1, 1), lambda b, rb: (_i32(0), _i32(0))),
    out_shape=jax.ShapeDtypeStruct((1, 1), jnp.float32),
    scratch_shapes=[
        pltpu.VMEM((1, _M), jnp.float32),
        pltpu.VMEM((1, _M), jnp.float32),
        pltpu.VMEM((1, _M), jnp.float32),
        pltpu.VMEM((1, _M), jnp.float32),
        pltpu.SMEM((8,), jnp.float32),
    ],
    compiler_params=pltpu.CompilerParams(
        dimension_semantics=("arbitrary", "arbitrary")),
)


@functools.cache
def _make_tc_call():
    return pl.pallas_call(_tc_body, **_tc_call_kwargs)


def kernel(gt_matches0, gt_matches1, scores, distance):
    scores = scores.astype(jnp.float32)
    distance = distance.astype(jnp.float32)
    gt0f = gt_matches0.astype(jnp.int32).reshape(-1)
    gt1f = gt_matches1.astype(jnp.int32).reshape(-1)

    tiny0 = jax.lax.bitcast_convert_type(gt0f, jnp.float32)
    tiny1 = jax.lax.bitcast_convert_type(gt1f, jnp.float32)
    gathered = _make_sc_gather()(tiny0, tiny1, gt0f, gt1f)
    return jnp.sum(gathered)
    pad = _NRB * _RB - _N
    sp0 = jnp.pad(gathered[0].reshape(_B, _N), ((0, 0), (0, pad)))[..., None]
    dp0 = jnp.pad(gathered[2].reshape(_B, _N), ((0, 0), (0, pad)))[..., None]
    sp1 = gathered[1].reshape(_B, 1, _N)
    dp1 = gathered[3].reshape(_B, 1, _N)

    out = _make_tc_call()(scores, distance, sp0, dp0, sp1, dp1)
    return out[0, 0]

# --- scband reference (transcript-rebuilt; emitter-appended) ---
"""Pipeline reference for scband-distribution6-3393024163976 (READ-ONLY COPY).

The authoritative reference and input builder live on the scoring server;
editing this copy changes nothing except your own understanding.
"""

import jax, jax.numpy as jnp
import numpy as np
jax.config.update("jax_enable_x64", True)

TRIPLET_LOSS_GAMMA = 0.5
LAMDA = 0.5
B, N, M = 4, 1024, 1024


def setup_inputs(seed: int = 0):
    key = jax.random.key(seed)
    k1, k2, k3, k4 = jax.random.split(key, 4)
    gt_matches0 = jax.random.randint(k1, (B, N), 0, M, dtype=jnp.int64)
    gt_matches1 = jax.random.randint(k2, (B, M), 0, N, dtype=jnp.int64)
    scores = jax.random.normal(k3, (B, N + 1, M + 1), dtype=jnp.float32)
    distance = jax.random.uniform(k4, (B, N, M), dtype=jnp.float32)
    return {"gt_matches0": gt_matches0, "gt_matches1": gt_matches1, "scores": scores, "distance": distance}


def _forward(scores, distance, gt_matches0, gt_matches1):
    b, n = gt_matches0.shape
    m = gt_matches1.shape[1]
    bins0 = jnp.zeros((b, n, 1), dtype=scores.dtype)
    bins1 = jnp.zeros((b, 1, m), dtype=scores.dtype)
    zero = jnp.zeros((b, 1, 1), dtype=scores.dtype)
    dist = jnp.concatenate([jnp.concatenate([distance, bins0], -1), jnp.concatenate([bins1, zero], -1)], 1)
    gt0 = jnp.where(gt_matches0 == -1, m, gt_matches0)
    gt1 = jnp.where(gt_matches1 == -1, n, gt_matches1)
    # pc0 -> pc1
    pos_indice2 = jnp.broadcast_to(gt0[:, :, None], (b, n, m + 1))
    neg_cols = jnp.arange(m).reshape(1, 1, -1)
    neg_idx = neg_cols + (neg_cols >= gt0[:, :, None]).astype(gt0.dtype)
    dsub = dist[:, :-1, :]
    dis_anc_pos = jnp.take_along_axis(dsub, gt0[:, :, None], axis=2)
    dis_anc_neg = jnp.take_along_axis(dsub, neg_idx, axis=2)
    margin = dis_anc_pos - dis_anc_neg
    mask1 = (pos_indice2 < m)[:, :, :-2]
    margin = margin[:, :, :-1]
    margin = jnp.where(mask1, margin, margin).reshape(-1)
    ssub = scores[:, :-1, :]
    score_anc_pos = -jnp.take_along_axis(ssub, gt0[:, :, None], axis=2)
    score_anc_neg = -jnp.take_along_axis(ssub, neg_idx, axis=2)
    gap = score_anc_pos - score_anc_neg
    # pc1 -> pc0
    pos_indice2b = jnp.broadcast_to(gt1[:, None, :], (b, n + 1, m))
    neg_cols2 = jnp.arange(n).reshape(1, 1, -1)
    neg_idx2 = neg_cols2 + (neg_cols2 >= gt1[:, :, None]).astype(gt1.dtype)
    dist_t = jnp.transpose(dist[:, :, :-1], (0, 2, 1))
    dis_anc_pos2 = jnp.take_along_axis(dist_t, gt1[:, :, None], axis=2)
    dis_anc_neg2 = jnp.take_along_axis(dist_t, neg_idx2, axis=2)
    margin2 = dis_anc_pos2 - dis_anc_neg2
    mask2 = jnp.transpose(pos_indice2b < n, (0, 2, 1))[:, :, :-2]
    margin2 = margin2[:, :, :-1]
    margin2 = jnp.where(mask2, margin2, margin2).reshape(-1)
    sc_t = jnp.transpose(scores[:, :, :-1], (0, 2, 1))
    score_anc_pos2 = -jnp.take_along_axis(sc_t, gt1[:, :, None], axis=2)
    score_anc_neg2 = -jnp.take_along_axis(sc_t, neg_idx2, axis=2)
    gap2 = score_anc_pos2 - score_anc_neg2
    # gap loss
    active_num = jnp.sum((gap + TRIPLET_LOSS_GAMMA > 0).astype(jnp.float32), axis=2)
    active_num = jnp.where(active_num == 0, 1.0, active_num)
    gap_loss = jnp.clip(gap + TRIPLET_LOSS_GAMMA, 0.0, None)
    gap_loss = jnp.mean(jnp.sum(gap_loss, axis=2) / active_num)
    active_num2 = jnp.sum((gap2 > -TRIPLET_LOSS_GAMMA).astype(jnp.float32), axis=2)
    active_num2 = jnp.where(active_num2 == 0, 1.0, active_num2)
    gap_loss2 = jnp.clip(gap2 + TRIPLET_LOSS_GAMMA, 0.0, None)
    gap_loss2 = jnp.mean(jnp.sum(gap_loss2, axis=2) / active_num2)
    gap_loss_total = (gap_loss + gap_loss2) / 2
    # optimal transport loss
    ot_loss1 = jnp.mean(score_anc_pos2)
    ot_loss2 = jnp.mean(score_anc_pos2)
    ot_loss = (ot_loss1 + ot_loss2) / 2
    # average margin loss + variance loss
    margin_cat = jnp.concatenate([margin, margin2], 0)
    average_margin_loss = jnp.exp(jnp.mean(margin_cat))
    var_loss = jnp.var(-margin_cat, ddof=1)
    loss_mean = (ot_loss + average_margin_loss + var_loss) * (1 - LAMDA) + (gap_loss_total + var_loss) * LAMDA
    return loss_mean


def reference(gt_matches0, gt_matches1, scores, distance):
    return _forward(scores, distance, gt_matches0, gt_matches1)

if __name__ == "__main__":
    import jax
    _d = setup_inputs()
    print(jax.jit(kernel)(*tuple(_d.values())))

</pallas_src>

<mosaic_0001>
#map = affine_map<(d0, d1) -> (0)>
#map1 = affine_map<(d0, d1) -> (0, 0)>
module attributes {stable_mosaic.version = 14 : i64} {
  func.func @_sc_gather_body(%arg0: i32, %arg1: i32, %arg2: memref<4096xf32, #tpu.memory_space<hbm>>, %arg3: memref<4096xf32, #tpu.memory_space<hbm>>, %arg4: memref<4096xi32, #tpu.memory_space<hbm>>, %arg5: memref<4096xi32, #tpu.memory_space<hbm>>, %arg6: memref<4x4096xf32, #tpu.memory_space<hbm>>, %arg7: memref<128xi32, #tpu.memory_space<vmem>>, %arg8: memref<128xi32, #tpu.memory_space<vmem>>, %arg9: memref<128xi32, #tpu.memory_space<vmem>>, %arg10: memref<128xf32, #tpu.memory_space<vmem>>, %arg11: memref<!tpu.dma_semaphore, #tpu.memory_space<semaphore_mem>>) attributes {dimension_semantics = [#tpu.dimension_semantics<core_parallel>, #tpu.dimension_semantics<subcore_parallel>], iteration_bounds = array<i64: 2, 16>, scalar_prefetch = 0 : i64, scratch_operands = 5 : i64, tpu.core_type = #tpu.core_type<sc_vector_subcore>, window_params = [{transform_indices = #map}, {transform_indices = #map}, {transform_indices = #map}, {transform_indices = #map}, {transform_indices = #map1}]} {
    %mul3A = arith.constant 2 : i32
    %mul3A_0 = arith.muli %arg1, %mul3A : i32
    %add3A = arith.addi %mul3A_0, %arg0 : i32
    %mul3A_1 = arith.constant 128 : i32
    %mul3A_2 = arith.muli %add3A, %mul3A_1 : i32
    %jit3A = arith.constant 1024 : i64
    %convert_element_type3A = arith.trunci %jit3A : i64 to i32
    %div3A = arith.divsi %mul3A_2, %convert_element_type3A : i32
    %sign3A = arith.constant 0 : i32
    %sign3A_3 = arith.cmpi sgt, %mul3A_2, %sign3A : i32
    %sign3A_4 = arith.extui %sign3A_3 : i1 to i32
    %sign3A_5 = arith.constant 0 : i32
    %sign3A_6 = arith.cmpi slt, %mul3A_2, %sign3A_5 : i32
    %sign3A_7 = arith.extui %sign3A_6 : i1 to i32
    %sign3A_8 = arith.subi %sign3A_4, %sign3A_7 : i32
    %sign3A_9 = arith.constant 0 : i32
    %sign3A_10 = arith.cmpi sgt, %convert_element_type3A, %sign3A_9 : i32
    %sign3A_11 = arith.extui %sign3A_10 : i1 to i32
    %sign3A_12 = arith.constant 0 : i32
    %sign3A_13 = arith.cmpi slt, %convert_element_type3A, %sign3A_12 : i32
    %sign3A_14 = arith.extui %sign3A_13 : i1 to i32
    %sign3A_15 = arith.subi %sign3A_11, %sign3A_14 : i32
    %ne3A = arith.cmpi ne, %sign3A_8, %sign3A_15 : i32
    %rem3A = arith.remsi %mul3A_2, %convert_element_type3A : i32
    %ne3A_16 = arith.constant 0 : i32
    %ne3A_17 = arith.cmpi ne, %rem3A, %ne3A_16 : i32
    %and3A = arith.andi %ne3A, %ne3A_17 : i1
    %sub3A = arith.constant 1 : i32
    %sub3A_18 = arith.subi %div3A, %sub3A : i32
    %select_n3A = arith.select %and3A, %sub3A_18, %div3A : i32
    %mul3A_19 = arith.constant 1024 : i32
    %mul3A_20 = arith.muli %select_n3A, %mul3A_19 : i32
    %sub3A_21 = arith.subi %mul3A_2, %mul3A_20 : i32
    "tpu.region"() ({
      %run_scoped3A_808 = tpu.sem_alloc : memref<!tpu.dma_semaphore, #tpu.memory_space<semaphore_mem>>
      %dma_start3A_809 = tpu.memref_slice %arg4[%mul3A_2] : memref<4096xi32, #tpu.memory_space<hbm>> -> memref<128xi32, #tpu.memory_space<hbm>>
      %dma_start3A_810 = tpu.memref_slice %arg4[%mul3A_2] : memref<4096xi32, #tpu.memory_space<hbm>> -> memref<128xi32, #tpu.memory_space<hbm>>
      tpu.enqueue_dma source(%dma_start3A_810 : memref<128xi32, #tpu.memory_space<hbm>>) target(%arg7 : memref<128xi32, #tpu.memory_space<vmem>>) target_semaphore(%run_scoped3A_808 : memref<!tpu.dma_semaphore, #tpu.memory_space<semaphore_mem>>)
      %dma_wait3A_811 = tpu.memref_slice %arg4[%mul3A_2] : memref<4096xi32, #tpu.memory_space<hbm>> -> memref<128xi32, #tpu.memory_space<hbm>>
      %dma_wait3A_812 = tpu.memref_slice %arg4[%mul3A_2] : memref<4096xi32, #tpu.memory_space<hbm>> -> memref<128xi32, #tpu.memory_space<hbm>>
      tpu.wait_dma2 semaphore(%run_scoped3A_808 : memref<!tpu.dma_semaphore, #tpu.memory_space<semaphore_mem>>) src(%dma_wait3A_812 : memref<128xi32, #tpu.memory_space<hbm>>) dst(%arg7 : memref<128xi32, #tpu.memory_space<vmem>>)
      tpu.yield
    }) : () -> ()
    "tpu.region"() ({
      %run_scoped3A_808 = tpu.sem_alloc : memref<!tpu.dma_semaphore, #tpu.memory_space<semaphore_mem>>
      %dma_start3A_809 = tpu.memref_slice %arg5[%mul3A_2] : memref<4096xi32, #tpu.memory_space<hbm>> -> memref<128xi32, #tpu.memory_space<hbm>>
      %dma_start3A_810 = tpu.memref_slice %arg5[%mul3A_2] : memref<4096xi32, #tpu.memory_space<hbm>> -> memref<128xi32, #tpu.memory_space<hbm>>
      tpu.enqueue_dma source(%dma_start3A_810 : memref<128xi32, #tpu.memory_space<hbm>>) target(%arg8 : memref<128xi32, #tpu.memory_space<vmem>>) target_semaphore(%run_scoped3A_808 : memref<!tpu.dma_semaphore, #tpu.memory_space<semaphore_mem>>)
      %dma_wait3A_811 = tpu.memref_slice %arg5[%mul3A_2] : memref<4096xi32, #tpu.memory_space<hbm>> -> memref<128xi32, #tpu.memory_space<hbm>>
      %dma_wait3A_812 = tpu.memref_slice %arg5[%mul3A_2] : memref<4096xi32, #tpu.memory_space<hbm>> -> memref<128xi32, #tpu.memory_space<hbm>>
      tpu.wait_dma2 semaphore(%run_scoped3A_808 : memref<!tpu.dma_semaphore, #tpu.memory_space<semaphore_mem>>) src(%dma_wait3A_812 : memref<128xi32, #tpu.memory_space<hbm>>) dst(%arg8 : memref<128xi32, #tpu.memory_space<vmem>>)
      tpu.yield
    }) : () -> ()
    %mul3A_22 = arith.constant 1050625 : i32
    %mul3A_23 = arith.muli %select_n3A, %mul3A_22 : i32
    %mul3A_24 = arith.constant 1048576 : i32
    %mul3A_25 = arith.muli %select_n3A, %mul3A_24 : i32
    %add3A_26 = arith.constant 0 : i32
    %add3A_27 = arith.addi %sub3A_21, %add3A_26 : i32
    %iota3A = tpu.iota {dimensions = array<i32: 0>} : vector<16xi32>
    %add3A_28 = vector.broadcast %add3A_27 : i32 to vector<16xi32>
    %add3A_29 = arith.addi %add3A_28, %iota3A : vector<16xi32>
    %get3A = arith.constant 0 : index
    %get3A_30 = tpu.vector_load %arg7[%get3A] {strides = array<i32>} : memref<128xi32, #tpu.memory_space<vmem>>, vector<16xi32>,
    %get3A_31 = vector.shape_cast %get3A_30 : vector<16xi32> to vector<16xi32>
    %get3A_32 = arith.constant 0 : index
    %get3A_33 = tpu.vector_load %arg8[%get3A_32] {strides = array<i32>} : memref<128xi32, #tpu.memory_space<vmem>>, vector<16xi32>,
    %get3A_34 = vector.shape_cast %get3A_33 : vector<16xi32> to vector<16xi32>
    %mul3A_35 = arith.constant 1025 : i32
    %mul3A_36 = vector.broadcast %mul3A_35 : i32 to vector<16xi32>
    %mul3A_37 = arith.muli %add3A_29, %mul3A_36 : vector<16xi32>
    %add3A_38 = vector.broadcast %mul3A_23 : i32 to vector<16xi32>
    %add3A_39 = arith.addi %add3A_38, %mul3A_37 : vector<16xi32>
    %add3A_40 = arith.addi %add3A_39, %get3A_31 : vector<16xi32>
    %and3A_41 = arith.constant 4095 : i32
    %and3A_42 = vector.broadcast %and3A_41 : i32 to vector<16xi32>
    %and3A_43 = arith.andi %add3A_40, %and3A_42 : vector<16xi32>
    %swap3A = arith.constant 0 : index
    %swap3A_44 = tpu.vector_load %arg9[%swap3A] {strides = array<i32>} : memref<128xi32, #tpu.memory_space<vmem>>, vector<16xi32>,
    %swap3A_45 = vector.shape_cast %swap3A_44 : vector<16xi32> to vector<16xi32>
    %swap3A_46 = vector.shape_cast %and3A_43 : vector<16xi32> to vector<16xi32>
    tpu.vector_store %arg9[%swap3A], %swap3A_46 {strides = array<i32>} : memref<128xi32, #tpu.memory_space<vmem>>, vector<16xi32>,
    %add3A_47 = arith.constant 16 : i32
    %add3A_48 = arith.addi %sub3A_21, %add3A_47 : i32
    %iota3A_49 = tpu.iota {dimensions = array<i32: 0>} : vector<16xi32>
    %add3A_50 = vector.broadcast %add3A_48 : i32 to vector<16xi32>
    %add3A_51 = arith.addi %add3A_50, %iota3A_49 : vector<16xi32>
    %get3A_52 = arith.constant 16 : index
    %get3A_53 = tpu.vector_load %arg7[%get3A_52] {strides = array<i32>} : memref<128xi32, #tpu.memory_space<vmem>>, vector<16xi32>,
    %get3A_54 = vector.shape_cast %get3A_53 : vector<16xi32> to vector<16xi32>
    %get3A_55 = arith.constant 16 : index
    %get3A_56 = tpu.vector_load %arg8[%get3A_55] {strides = array<i32>} : memref<128xi32, #tpu.memory_space<vmem>>, vector<16xi32>,
    %get3A_57 = vector.shape_cast %get3A_56 : vector<16xi32> to vector<16xi32>
    %mul3A_58 = arith.constant 1025 : i32
    %mul3A_59 = vector.broadcast %mul3A_58 : i32 to vector<16xi32>
    %mul3A_60 = arith.muli %add3A_51, %mul3A_59 : vector<16xi32>
    %add3A_61 = vector.broadcast %mul3A_23 : i32 to vector<16xi32>
    %add3A_62 = arith.addi %add3A_61, %mul3A_60 : vector<16xi32>
    %add3A_63 = arith.addi %add3A_62, %get3A_54 : vector<16xi32>
    %and3A_64 = arith.constant 4095 : i32
    %and3A_65 = vector.broadcast %and3A_64 : i32 to vector<16xi32>
    %and3A_66 = arith.andi %add3A_63, %and3A_65 : vector<16xi32>
    %swap3A_67 = arith.constant 16 : index
    %swap3A_68 = tpu.vector_load %arg9[%swap3A_67] {strides = array<i32>} : memref<128xi32, #tpu.memory_space<vmem>>, vector<16xi32>,
    %swap3A_69 = vector.shape_cast %swap3A_68 : vector<16xi32> to vector<16xi32>
    %swap3A_70 = vector.shape_cast %and3A_66 : vector<16xi32> to vector<16xi32>
    tpu.vector_store %arg9[%swap3A_67], %swap3A_70 {strides = array<i32>} : memref<128xi32, #tpu.memory_space<vmem>>, vector<16xi32>,
    %add3A_71 = arith.constant 32 : i32
    %add3A_72 = arith.addi %sub3A_21, %add3A_71 : i32
    %iota3A_73 = tpu.iota {dimensions = array<i32: 0>} : vector<16xi32>
    %add3A_74 = vector.broadcast %add3A_72 : i32 to vector<16xi32>
    %add3A_75 = arith.addi %add3A_74, %iota3A_73 : vector<16xi32>
    %get3A_76 = arith.constant 32 : index
    %get3A_77 = tpu.vector_load %arg7[%get3A_76] {strides = array<i32>} : memref<128xi32, #tpu.memory_space<vmem>>, vector<16xi32>,
    %get3A_78 = vector.shape_cast %get3A_77 : vector<16xi32> to vector<16xi32>
    %get3A_79 = arith.constant 32 : index
    %get3A_80 = tpu.vector_load %arg8[%get3A_79] {strides = array<i32>} : memref<128xi32, #tpu.memory_space<vmem>>, vector<16xi32>,
    %get3A_81 = vector.shape_cast %get3A_80 : vector<16xi32> to vector<16xi32>
    %mul3A_82 = arith.constant 1025 : i32
    %mul3A_83 = vector.broadcast %mul3A_82 : i32 to vector<16xi32>
    %mul3A_84 = arith.muli %add3A_75, %mul3A_83 : vector<16xi32>
    %add3A_85 = vector.broadcast %mul3A_23 : i32 to vector<16xi32>
    %add3A_86 = arith.addi %add3A_85, %mul3A_84 : vector<16xi32>
    %add3A_87 = arith.addi %add3A_86, %get3A_78 : vector<16xi32>
    %and3A_88 = arith.constant 4095 : i32
    %and3A_89 = vector.broadcast %and3A_88 : i32 to vector<16xi32>
    %and3A_90 = arith.andi %add3A_87, %and3A_89 : vector<16xi32>
    %swap3A_91 = arith.constant 32 : index
    %swap3A_92 = tpu.vector_load %arg9[%swap3A_91] {strides = array<i32>} : memref<128xi32, #tpu.memory_space<vmem>>, vector<16xi32>,
    %swap3A_93 = vector.shape_cast %swap3A_92 : vector<16xi32> to vector<16xi32>
    %swap3A_94 = vector.shape_cast %and3A_90 : vector<16xi32> to vector<16xi32>
    tpu.vector_store %arg9[%swap3A_91], %swap3A_94 {strides = array<i32>} : memref<128xi32, #tpu.memory_space<vmem>>, vector<16xi32>,
    %add3A_95 = arith.constant 48 : i32
    %add3A_96 = arith.addi %sub3A_21, %add3A_95 : i32
    %iota3A_97 = tpu.iota {dimensions = array<i32: 0>} : vector<16xi32>
    %add3A_98 = vector.broadcast %add3A_96 : i32 to vector<16xi32>
    %add3A_99 = arith.addi %add3A_98, %iota3A_97 : vector<16xi32>
    %get3A_100 = arith.constant 48 : index
    %get3A_101 = tpu.vector_load %arg7[%get3A_100] {strides = array<i32>} : memref<128xi32, #tpu.memory_space<vmem>>, vector<16xi32>,
    %get3A_102 = vector.shape_cast %get3A_101 : vector<16xi32> to vector<16xi32>
    %get3A_103 = arith.constant 48 : index
    %get3A_104 = tpu.vector_load %arg8[%get3A_103] {strides = array<i32>} : memref<128xi32, #tpu.memory_space<vmem>>, vector<16xi32>,
    %get3A_105 = vector.shape_cast %get3A_104 : vector<16xi32> to vector<16xi32>
    %mul3A_106 = arith.constant 1025 : i32
    %mul3A_107 = vector.broadcast %mul3A_106 : i32 to vector<16xi32>
    %mul3A_108 = arith.muli %add3A_99, %mul3A_107 : vector<16xi32>
    %add3A_109 = vector.broadcast %mul3A_23 : i32 to vector<16xi32>
    %add3A_110 = arith.addi %add3A_109, %mul3A_108 : vector<16xi32>
    %add3A_111 = arith.addi %add3A_110, %get3A_102 : vector<16xi32>
    %and3A_112 = arith.constant 4095 : i32
    %and3A_113 = vector.broadcast %and3A_112 : i32 to vector<16xi32>
    %and3A_114 = arith.andi %add3A_111, %and3A_113 : vector<16xi32>
    %swap3A_115 = arith.constant 48 : index
    %swap3A_116 = tpu.vector_load %arg9[%swap3A_115] {strides = array<i32>} : memref<128xi32, #tpu.memory_space<vmem>>, vector<16xi32>,
    %swap3A_117 = vector.shape_cast %swap3A_116 : vector<16xi32> to vector<16xi32>
    %swap3A_118 = vector.shape_cast %and3A_114 : vector<16xi32> to vector<16xi32>
    tpu.vector_store %arg9[%swap3A_115], %swap3A_118 {strides = array<i32>} : memref<128xi32, #tpu.memory_space<vmem>>, vector<16xi32>,
    %add3A_119 = arith.constant 64 : i32
    %add3A_120 = arith.addi %sub3A_21, %add3A_119 : i32
    %iota3A_121 = tpu.iota {dimensions = array<i32: 0>} : vector<16xi32>
    %add3A_122 = vector.broadcast %add3A_120 : i32 to vector<16xi32>
    %add3A_123 = arith.addi %add3A_122, %iota3A_121 : vector<16xi32>
    %get3A_124 = arith.constant 64 : index
    %get3A_125 = tpu.vector_load %arg7[%get3A_124] {strides = array<i32>} : memref<128xi32, #tpu.memory_space<vmem>>, vector<16xi32>,
    %get3A_126 = vector.shape_cast %get3A_125 : vector<16xi32> to vector<16xi32>
    %get3A_127 = arith.constant 64 : index
    %get3A_128 = tpu.vector_load %arg8[%get3A_127] {strides = array<i32>} : memref<128xi32, #tpu.memory_space<vmem>>, vector<16xi32>,
    %get3A_129 = vector.shape_cast %get3A_128 : vector<16xi32> to vector<16xi32>
    %mul3A_130 = arith.constant 1025 : i32
    %mul3A_131 = vector.broadcast %mul3A_130 : i32 to vector<16xi32>
    %mul3A_132 = arith.muli %add3A_123, %mul3A_131 : vector<16xi32>
    %add3A_133 = vector.broadcast %mul3A_23 : i32 to vector<16xi32>
    %add3A_134 = arith.addi %add3A_133, %mul3A_132 : vector<16xi32>
    %add3A_135 = arith.addi %add3A_134, %get3A_126 : vector<16xi32>
    %and3A_136 = arith.constant 4095 : i32
    %and3A_137 = vector.broadcast %and3A_136 : i32 to vector<16xi32>
    %and3A_138 = arith.andi %add3A_135, %and3A_137 : vector<16xi32>
    %swap3A_139 = arith.constant 64 : index
    %swap3A_140 = tpu.vector_load %arg9[%swap3A_139] {strides = array<i32>} : memref<128xi32, #tpu.memory_space<vmem>>, vector<16xi32>,
    %swap3A_141 = vector.shape_cast %swap3A_140 : vector<16xi32> to vector<16xi32>
    %swap3A_142 = vector.shape_cast %and3A_138 : vector<16xi32> to vector<16xi32>
    tpu.vector_store %arg9[%swap3A_139], %swap3A_142 {strides = array<i32>} : memref<128xi32, #tpu.memory_space<vmem>>, vector<16xi32>,
    %add3A_143 = arith.constant 80 : i32
    %add3A_144 = arith.addi %sub3A_21, %add3A_143 : i32
    %iota3A_145 = tpu.iota {dimensions = array<i32: 0>} : vector<16xi32>
    %add3A_146 = vector.broadcast %add3A_144 : i32 to vector<16xi32>
    %add3A_147 = arith.addi %add3A_146, %iota3A_145 : vector<16xi32>
    %get3A_148 = arith.constant 80 : index
    %get3A_149 = tpu.vector_load %arg7[%get3A_148] {strides = array<i32>} : memref<128xi32, #tpu.memory_space<vmem>>, vector<16xi32>,
    %get3A_150 = vector.shape_cast %get3A_149 : vector<16xi32> to vector<16xi32>
    %get3A_151 = arith.constant 80 : index
    %get3A_152 = tpu.vector_load %arg8[%get3A_151] {strides = array<i32>} : memref<128xi32, #tpu.memory_space<vmem>>, vector<16xi32>,
    %get3A_153 = vector.shape_cast %get3A_152 : vector<16xi32> to vector<16xi32>
    %mul3A_154 = arith.constant 1025 : i32
    %mul3A_155 = vector.broadcast %mul3A_154 : i32 to vector<16xi32>
    %mul3A_156 = arith.muli %add3A_147, %mul3A_155 : vector<16xi32>
    %add3A_157 = vector.broadcast %mul3A_23 : i32 to vector<16xi32>
    %add3A_158 = arith.addi %add3A_157, %mul3A_156 : vector<16xi32>
    %add3A_159 = arith.addi %add3A_158, %get3A_150 : vector<16xi32>
    %and3A_160 = arith.constant 4095 : i32
    %and3A_161 = vector.broadcast %and3A_160 : i32 to vector<16xi32>
    %and3A_162 = arith.andi %add3A_159, %and3A_161 : vector<16xi32>
    %swap3A_163 = arith.constant 80 : index
    %swap3A_164 = tpu.vector_load %arg9[%swap3A_163] {strides = array<i32>} : memref<128xi32, #tpu.memory_space<vmem>>, vector<16xi32>,
    %swap3A_165 = vector.shape_cast %swap3A_164 : vector<16xi32> to vector<16xi32>
    %swap3A_166 = vector.shape_cast %and3A_162 : vector<16xi32> to vector<16xi32>
    tpu.vector_store %arg9[%swap3A_163], %swap3A_166 {strides = array<i32>} : memref<128xi32, #tpu.memory_space<vmem>>, vector<16xi32>,
    %add3A_167 = arith.constant 96 : i32
    %add3A_168 = arith.addi %sub3A_21, %add3A_167 : i32
    %iota3A_169 = tpu.iota {dimensions = array<i32: 0>} : vector<16xi32>
    %add3A_170 = vector.broadcast %add3A_168 : i32 to vector<16xi32>
    %add3A_171 = arith.addi %add3A_170, %iota3A_169 : vector<16xi32>
    %get3A_172 = arith.constant 96 : index
    %get3A_173 = tpu.vector_load %arg7[%get3A_172] {strides = array<i32>} : memref<128xi32, #tpu.memory_space<vmem>>, vector<16xi32>,
    %get3A_174 = vector.shape_cast %get3A_173 : vector<16xi32> to vector<16xi32>
    %get3A_175 = arith.constant 96 : index
    %get3A_176 = tpu.vector_load %arg8[%get3A_175] {strides = array<i32>} : memref<128xi32, #tpu.memory_space<vmem>>, vector<16xi32>,
    %get3A_177 = vector.shape_cast %get3A_176 : vector<16xi32> to vector<16xi32>
    %mul3A_178 = arith.constant 1025 : i32
    %mul3A_179 = vector.broadcast %mul3A_178 : i32 to vector<16xi32>
    %mul3A_180 = arith.muli %add3A_171, %mul3A_179 : vector<16xi32>
    %add3A_181 = vector.broadcast %mul3A_23 : i32 to vector<16xi32>
    %add3A_182 = arith.addi %add3A_181, %mul3A_180 : vector<16xi32>
    %add3A_183 = arith.addi %add3A_182, %get3A_174 : vector<16xi32>
    %and3A_184 = arith.constant 4095 : i32
    %and3A_185 = vector.broadcast %and3A_184 : i32 to vector<16xi32>
    %and3A_186 = arith.andi %add3A_183, %and3A_185 : vector<16xi32>
    %swap3A_187 = arith.constant 96 : index
    %swap3A_188 = tpu.vector_load %arg9[%swap3A_187] {strides = array<i32>} : memref<128xi32, #tpu.memory_space<vmem>>, vector<16xi32>,
    %swap3A_189 = vector.shape_cast %swap3A_188 : vector<16xi32> to vector<16xi32>
    %swap3A_190 = vector.shape_cast %and3A_186 : vector<16xi32> to vector<16xi32>
    tpu.vector_store %arg9[%swap3A_187], %swap3A_190 {strides = array<i32>} : memref<128xi32, #tpu.memory_space<vmem>>, vector<16xi32>,
    %add3A_191 = arith.constant 112 : i32
    %add3A_192 = arith.addi %sub3A_21, %add3A_191 : i32
    %iota3A_193 = tpu.iota {dimensions = array<i32: 0>} : vector<16xi32>
    %add3A_194 = vector.broadcast %add3A_192 : i32 to vector<16xi32>
    %add3A_195 = arith.addi %add3A_194, %iota3A_193 : vector<16xi32>
    %get3A_196 = arith.constant 112 : index
    %get3A_197 = tpu.vector_load %arg7[%get3A_196] {strides = array<i32>} : memref<128xi32, #tpu.memory_space<vmem>>, vector<16xi32>,
    %get3A_198 = vector.shape_cast %get3A_197 : vector<16xi32> to vector<16xi32>
    %get3A_199 = arith.constant 112 : index
    %get3A_200 = tpu.vector_load %arg8[%get3A_199] {strides = array<i32>} : memref<128xi32, #tpu.memory_space<vmem>>, vector<16xi32>,
    %get3A_201 = vector.shape_cast %get3A_200 : vector<16xi32> to vector<16xi32>
    %mul3A_202 = arith.constant 1025 : i32
    %mul3A_203 = vector.broadcast %mul3A_202 : i32 to vector<16xi32>
    %mul3A_204 = arith.muli %add3A_195, %mul3A_203 : vector<16xi32>
    %add3A_205 = vector.broadcast %mul3A_23 : i32 to vector<16xi32>
    %add3A_206 = arith.addi %add3A_205, %mul3A_204 : vector<16xi32>
    %add3A_207 = arith.addi %add3A_206, %get3A_198 : vector<16xi32>
    %and3A_208 = arith.constant 4095 : i32
    %and3A_209 = vector.broadcast %and3A_208 : i32 to vector<16xi32>
    %and3A_210 = arith.andi %add3A_207, %and3A_209 : vector<16xi32>
    %swap3A_211 = arith.constant 112 : index
    %swap3A_212 = tpu.vector_load %arg9[%swap3A_211] {strides = array<i32>} : memref<128xi32, #tpu.memory_space<vmem>>, vector<16xi32>,
    %swap3A_213 = vector.shape_cast %swap3A_212 : vector<16xi32> to vector<16xi32>
    %swap3A_214 = vector.shape_cast %and3A_210 : vector<16xi32> to vector<16xi32>
    tpu.vector_store %arg9[%swap3A_211], %swap3A_214 {strides = array<i32>} : memref<128xi32, #tpu.memory_space<vmem>>, vector<16xi32>,
    %dma_start3A = arith.constant 0 : i32
    %dma_start3A_215 = tpu.memref_slice %arg2[%dma_start3A] : memref<4096xf32, #tpu.memory_space<hbm>> -> memref<4096xf32, #tpu.memory_space<hbm>>
    tpu.enqueue_indirect_dma source(%dma_start3A_215 : memref<4096xf32, #tpu.memory_space<hbm>>) target(%arg10 : memref<128xf32, #tpu.memory_space<vmem>>) offsets(%arg9 : memref<128xi32, #tpu.memory_space<vmem>>) semaphore(%arg11 : memref<!tpu.dma_semaphore, #tpu.memory_space<semaphore_mem>>)
    %dma_wait3A = arith.constant 0 : i32
    %dma_wait3A_216 = tpu.memref_slice %arg2[%dma_wait3A] : memref<4096xf32, #tpu.memory_space<hbm>> -> memref<4096xf32, #tpu.memory_space<hbm>>
    tpu.wait_indirect_dma semaphore(%arg11 : memref<!tpu.dma_semaphore, #tpu.memory_space<semaphore_mem>>) src(%dma_wait3A_216 : memref<4096xf32, #tpu.memory_space<hbm>>) dst(%arg10 : memref<128xf32, #tpu.memory_space<vmem>>)
    %run_scoped3A = arith.constant 0 : i32
    "tpu.region"() ({
      %run_scoped3A_808 = tpu.sem_alloc : memref<!tpu.dma_semaphore, #tpu.memory_space<semaphore_mem>>
      %dma_start3A_809 = tpu.memref_slice %arg6[%run_scoped3A, %mul3A_2] : memref<4x4096xf32, #tpu.memory_space<hbm>> -> memref<1x128xf32, #tpu.memory_space<hbm>>
      %dma_start3A_810 = tpu.memref_squeeze %dma_start3A_809 : memref<1x128xf32, #tpu.memory_space<hbm>> -> memref<128xf32, #tpu.memory_space<hbm>>
      %dma_start3A_811 = tpu.memref_slice %arg6[%run_scoped3A, %mul3A_2] : memref<4x4096xf32, #tpu.memory_space<hbm>> -> memref<1x128xf32, #tpu.memory_space<hbm>>
      %dma_start3A_812 = tpu.memref_squeeze %dma_start3A_811 : memref<1x128xf32, #tpu.memory_space<hbm>> -> memref<128xf32, #tpu.memory_space<hbm>>
      tpu.enqueue_dma source(%arg10 : memref<128xf32, #tpu.memory_space<vmem>>) target(%dma_start3A_812 : memref<128xf32, #tpu.memory_space<hbm>>) target_semaphore(%run_scoped3A_808 : memref<!tpu.dma_semaphore, #tpu.memory_space<semaphore_mem>>)
      %dma_wait3A_813 = tpu.memref_slice %arg6[%run_scoped3A, %mul3A_2] : memref<4x4096xf32, #tpu.memory_space<hbm>> -> memref<1x128xf32, #tpu.memory_space<hbm>>
      %dma_wait3A_814 = tpu.memref_squeeze %dma_wait3A_813 : memref<1x128xf32, #tpu.memory_space<hbm>> -> memref<128xf32, #tpu.memory_space<hbm>>
      %dma_wait3A_815 = tpu.memref_slice %arg6[%run_scoped3A, %mul3A_2] : memref<4x4096xf32, #tpu.memory_space<hbm>> -> memref<1x128xf32, #tpu.memory_space<hbm>>
      %dma_wait3A_816 = tpu.memref_squeeze %dma_wait3A_815 : memref<1x128xf32, #tpu.memory_space<hbm>> -> memref<128xf32, #tpu.memory_space<hbm>>
      tpu.wait_dma2 semaphore(%run_scoped3A_808 : memref<!tpu.dma_semaphore, #tpu.memory_space<semaphore_mem>>) src(%arg10 : memref<128xf32, #tpu.memory_space<vmem>>) dst(%dma_wait3A_816 : memref<128xf32, #tpu.memory_space<hbm>>)
      tpu.yield
    }) : () -> ()
    %add3A_217 = arith.constant 0 : i32
    %add3A_218 = arith.addi %sub3A_21, %add3A_217 : i32
    %iota3A_219 = tpu.iota {dimensions = array<i32: 0>} : vector<16xi32>
    %add3A_220 = vector.broadcast %add3A_218 : i32 to vector<16xi32>
    %add3A_221 = arith.addi %add3A_220, %iota3A_219 : vector<16xi32>
    %get3A_222 = arith.constant 0 : index
    %get3A_223 = tpu.vector_load %arg7[%get3A_222] {strides = array<i32>} : memref<128xi32, #tpu.memory_space<vmem>>, vector<16xi32>,
    %get3A_224 = vector.shape_cast %get3A_223 : vector<16xi32> to vector<16xi32>
    %get3A_225 = arith.constant 0 : index
    %get3A_226 = tpu.vector_load %arg8[%get3A_225] {strides = array<i32>} : memref<128xi32, #tpu.memory_space<vmem>>, vector<16xi32>,
    %get3A_227 = vector.shape_cast %get3A_226 : vector<16xi32> to vector<16xi32>
    %mul3A_228 = arith.constant 1025 : i32
    %mul3A_229 = vector.broadcast %mul3A_228 : i32 to vector<16xi32>
    %mul3A_230 = arith.muli %get3A_227, %mul3A_229 : vector<16xi32>
    %add3A_231 = vector.broadcast %mul3A_23 : i32 to vector<16xi32>
    %add3A_232 = arith.addi %add3A_231, %mul3A_230 : vector<16xi32>
    %add3A_233 = arith.addi %add3A_232, %add3A_221 : vector<16xi32>
    %and3A_234 = arith.constant 4095 : i32
    %and3A_235 = vector.broadcast %and3A_234 : i32 to vector<16xi32>
    %and3A_236 = arith.andi %add3A_233, %and3A_235 : vector<16xi32>
    %swap3A_237 = arith.constant 0 : index
    %swap3A_238 = tpu.vector_load %arg9[%swap3A_237] {strides = array<i32>} : memref<128xi32, #tpu.memory_space<vmem>>, vector<16xi32>,
    %swap3A_239 = vector.shape_cast %swap3A_238 : vector<16xi32> to vector<16xi32>
    %swap3A_240 = vector.shape_cast %and3A_236 : vector<16xi32> to vector<16xi32>
    tpu.vector_store %arg9[%swap3A_237], %swap3A_240 {strides = array<i32>} : memref<128xi32, #tpu.memory_space<vmem>>, vector<16xi32>,
    %add3A_241 = arith.constant 16 : i32
    %add3A_242 = arith.addi %sub3A_21, %add3A_241 : i32
    %iota3A_243 = tpu.iota {dimensions = array<i32: 0>} : vector<16xi32>
    %add3A_244 = vector.broadcast %add3A_242 : i32 to vector<16xi32>
    %add3A_245 = arith.addi %add3A_244, %iota3A_243 : vector<16xi32>
    %get3A_246 = arith.constant 16 : index
    %get3A_247 = tpu.vector_load %arg7[%get3A_246] {strides = array<i32>} : memref<128xi32, #tpu.memory_space<vmem>>, vector<16xi32>,
    %get3A_248 = vector.shape_cast %get3A_247 : vector<16xi32> to vector<16xi32>
    %get3A_249 = arith.constant 16 : index
    %get3A_250 = tpu.vector_load %arg8[%get3A_249] {strides = array<i32>} : memref<128xi32, #tpu.memory_space<vmem>>, vector<16xi32>,
    %get3A_251 = vector.shape_cast %get3A_250 : vector<16xi32> to vector<16xi32>
    %mul3A_252 = arith.constant 1025 : i32
    %mul3A_253 = vector.broadcast %mul3A_252 : i32 to vector<16xi32>
    %mul3A_254 = arith.muli %get3A_251, %mul3A_253 : vector<16xi32>
    %add3A_255 = vector.broadcast %mul3A_23 : i32 to vector<16xi32>
    %add3A_256 = arith.addi %add3A_255, %mul3A_254 : vector<16xi32>
    %add3A_257 = arith.addi %add3A_256, %add3A_245 : vector<16xi32>
    %and3A_258 = arith.constant 4095 : i32
    %and3A_259 = vector.broadcast %and3A_258 : i32 to vector<16xi32>
    %and3A_260 = arith.andi %add3A_257, %and3A_259 : vector<16xi32>
    %swap3A_261 = arith.constant 16 : index
    %swap3A_262 = tpu.vector_load %arg9[%swap3A_261] {strides = array<i32>} : memref<128xi32, #tpu.memory_space<vmem>>, vector<16xi32>,
    %swap3A_263 = vector.shape_cast %swap3A_262 : vector<16xi32> to vector<16xi32>
    %swap3A_264 = vector.shape_cast %and3A_260 : vector<16xi32> to vector<16xi32>
    tpu.vector_store %arg9[%swap3A_261], %swap3A_264 {strides = array<i32>} : memref<128xi32, #tpu.memory_space<vmem>>, vector<16xi32>,
    %add3A_265 = arith.constant 32 : i32
    %add3A_266 = arith.addi %sub3A_21, %add3A_265 : i32
    %iota3A_267 = tpu.iota {dimensions = array<i32: 0>} : vector<16xi32>
    %add3A_268 = vector.broadcast %add3A_266 : i32 to vector<16xi32>
    %add3A_269 = arith.addi %add3A_268, %iota3A_267 : vector<16xi32>
    %get3A_270 = arith.constant 32 : index
    %get3A_271 = tpu.vector_load %arg7[%get3A_270] {strides = array<i32>} : memref<128xi32, #tpu.memory_space<vmem>>, vector<16xi32>,
    %get3A_272 = vector.shape_cast %get3A_271 : vector<16xi32> to vector<16xi32>
    %get3A_273 = arith.constant 32 : index
    %get3A_274 = tpu.vector_load %arg8[%get3A_273] {strides = array<i32>} : memref<128xi32, #tpu.memory_space<vmem>>, vector<16xi32>,
    %get3A_275 = vector.shape_cast %get3A_274 : vector<16xi32> to vector<16xi32>
    %mul3A_276 = arith.constant 1025 : i32
    %mul3A_277 = vector.broadcast %mul3A_276 : i32 to vector<16xi32>
    %mul3A_278 = arith.muli %get3A_275, %mul3A_277 : vector<16xi32>
    %add3A_279 = vector.broadcast %mul3A_23 : i32 to vector<16xi32>
    %add3A_280 = arith.addi %add3A_279, %mul3A_278 : vector<16xi32>
    %add3A_281 = arith.addi %add3A_280, %add3A_269 : vector<16xi32>
    %and3A_282 = arith.constant 4095 : i32
    %and3A_283 = vector.broadcast %and3A_282 : i32 to vector<16xi32>
    %and3A_284 = arith.andi %add3A_281, %and3A_283 : vector<16xi32>
    %swap3A_285 = arith.constant 32 : index
    %swap3A_286 = tpu.vector_load %arg9[%swap3A_285] {strides = array<i32>} : memref<128xi32, #tpu.memory_space<vmem>>, vector<16xi32>,
    %swap3A_287 = vector.shape_cast %swap3A_286 : vector<16xi32> to vector<16xi32>
    %swap3A_288 = vector.shape_cast %and3A_284 : vector<16xi32> to vector<16xi32>
    tpu.vector_store %arg9[%swap3A_285], %swap3A_288 {strides = array<i32>} : memref<128xi32, #tpu.memory_space<vmem>>, vector<16xi32>,
    %add3A_289 = arith.constant 48 : i32
    %add3A_290 = arith.addi %sub3A_21, %add3A_289 : i32
    %iota3A_291 = tpu.iota {dimensions = array<i32: 0>} : vector<16xi32>
    %add3A_292 = vector.broadcast %add3A_290 : i32 to vector<16xi32>
    %add3A_293 = arith.addi %add3A_292, %iota3A_291 : vector<16xi32>
    %get3A_294 = arith.constant 48 : index
    %get3A_295 = tpu.vector_load %arg7[%get3A_294] {strides = array<i32>} : memref<128xi32, #tpu.memory_space<vmem>>, vector<16xi32>,
    %get3A_296 = vector.shape_cast %get3A_295 : vector<16xi32> to vector<16xi32>
    %get3A_297 = arith.constant 48 : index
    %get3A_298 = tpu.vector_load %arg8[%get3A_297] {strides = array<i32>} : memref<128xi32, #tpu.memory_space<vmem>>, vector<16xi32>,
    %get3A_299 = vector.shape_cast %get3A_298 : vector<16xi32> to vector<16xi32>
    %mul3A_300 = arith.constant 1025 : i32
    %mul3A_301 = vector.broadcast %mul3A_300 : i32 to vector<16xi32>
    %mul3A_302 = arith.muli %get3A_299, %mul3A_301 : vector<16xi32>
    %add3A_303 = vector.broadcast %mul3A_23 : i32 to vector<16xi32>
    %add3A_304 = arith.addi %add3A_303, %mul3A_302 : vector<16xi32>
    %add3A_305 = arith.addi %add3A_304, %add3A_293 : vector<16xi32>
    %and3A_306 = arith.constant 4095 : i32
    %and3A_307 = vector.broadcast %and3A_306 : i32 to vector<16xi32>
    %and3A_308 = arith.andi %add3A_305, %and3A_307 : vector<16xi32>
    %swap3A_309 = arith.constant 48 : index
    %swap3A_310 = tpu.vector_load %arg9[%swap3A_309] {strides = array<i32>} : memref<128xi32, #tpu.memory_space<vmem>>, vector<16xi32>,
    %swap3A_311 = vector.shape_cast %swap3A_310 : vector<16xi32> to vector<16xi32>
    %swap3A_312 = vector.shape_cast %and3A_308 : vector<16xi32> to vector<16xi32>
    tpu.vector_store %arg9[%swap3A_309], %swap3A_312 {strides = array<i32>} : memref<128xi32, #tpu.memory_space<vmem>>, vector<16xi32>,
    %add3A_313 = arith.constant 64 : i32
    %add3A_314 = arith.addi %sub3A_21, %add3A_313 : i32
    %iota3A_315 = tpu.iota {dimensions = array<i32: 0>} : vector<16xi32>
    %add3A_316 = vector.broadcast %add3A_314 : i32 to vector<16xi32>
    %add3A_317 = arith.addi %add3A_316, %iota3A_315 : vector<16xi32>
    %get3A_318 = arith.constant 64 : index
    %get3A_319 = tpu.vector_load %arg7[%get3A_318] {strides = array<i32>} : memref<128xi32, #tpu.memory_space<vmem>>, vector<16xi32>,
    %get3A_320 = vector.shape_cast %get3A_319 : vector<16xi32> to vector<16xi32>
    %get3A_321 = arith.constant 64 : index
    %get3A_322 = tpu.vector_load %arg8[%get3A_321] {strides = array<i32>} : memref<128xi32, #tpu.memory_space<vmem>>, vector<16xi32>,
    %get3A_323 = vector.shape_cast %get3A_322 : vector<16xi32> to vector<16xi32>
    %mul3A_324 = arith.constant 1025 : i32
    %mul3A_325 = vector.broadcast %mul3A_324 : i32 to vector<16xi32>
    %mul3A_326 = arith.muli %get3A_323, %mul3A_325 : vector<16xi32>
    %add3A_327 = vector.broadcast %mul3A_23 : i32 to vector<16xi32>
    %add3A_328 = arith.addi %add3A_327, %mul3A_326 : vector<16xi32>
    %add3A_329 = arith.addi %add3A_328, %add3A_317 : vector<16xi32>
    %and3A_330 = arith.constant 4095 : i32
    %and3A_331 = vector.broadcast %and3A_330 : i32 to vector<16xi32>
    %and3A_332 = arith.andi %add3A_329, %and3A_331 : vector<16xi32>
    %swap3A_333 = arith.constant 64 : index
    %swap3A_334 = tpu.vector_load %arg9[%swap3A_333] {strides = array<i32>} : memref<128xi32, #tpu.memory_space<vmem>>, vector<16xi32>,
    %swap3A_335 = vector.shape_cast %swap3A_334 : vector<16xi32> to vector<16xi32>
    %swap3A_336 = vector.shape_cast %and3A_332 : vector<16xi32> to vector<16xi32>
    tpu.vector_store %arg9[%swap3A_333], %swap3A_336 {strides = array<i32>} : memref<128xi32, #tpu.memory_space<vmem>>, vector<16xi32>,
    %add3A_337 = arith.constant 80 : i32
    %add3A_338 = arith.addi %sub3A_21, %add3A_337 : i32
    %iota3A_339 = tpu.iota {dimensions = array<i32: 0>} : vector<16xi32>
    %add3A_340 = vector.broadcast %add3A_338 : i32 to vector<16xi32>
    %add3A_341 = arith.addi %add3A_340, %iota3A_339 : vector<16xi32>
    %get3A_342 = arith.constant 80 : index
    %get3A_343 = tpu.vector_load %arg7[%get3A_342] {strides = array<i32>} : memref<128xi32, #tpu.memory_space<vmem>>, vector<16xi32>,
    %get3A_344 = vector.shape_cast %get3A_343 : vector<16xi32> to vector<16xi32>
    %get3A_345 = arith.constant 80 : index
    %get3A_346 = tpu.vector_load %arg8[%get3A_345] {strides = array<i32>} : memref<128xi32, #tpu.memory_space<vmem>>, vector<16xi32>,
    %get3A_347 = vector.shape_cast %get3A_346 : vector<16xi32> to vector<16xi32>
    %mul3A_348 = arith.constant 1025 : i32
    %mul3A_349 = vector.broadcast %mul3A_348 : i32 to vector<16xi32>
    %mul3A_350 = arith.muli %get3A_347, %mul3A_349 : vector<16xi32>
    %add3A_351 = vector.broadcast %mul3A_23 : i32 to vector<16xi32>
    %add3A_352 = arith.addi %add3A_351, %mul3A_350 : vector<16xi32>
    %add3A_353 = arith.addi %add3A_352, %add3A_341 : vector<16xi32>
    %and3A_354 = arith.constant 4095 : i32
    %and3A_355 = vector.broadcast %and3A_354 : i32 to vector<16xi32>
    %and3A_356 = arith.andi %add3A_353, %and3A_355 : vector<16xi32>
    %swap3A_357 = arith.constant 80 : index
    %swap3A_358 = tpu.vector_load %arg9[%swap3A_357] {strides = array<i32>} : memref<128xi32, #tpu.memory_space<vmem>>, vector<16xi32>,
    %swap3A_359 = vector.shape_cast %swap3A_358 : vector<16xi32> to vector<16xi32>
    %swap3A_360 = vector.shape_cast %and3A_356 : vector<16xi32> to vector<16xi32>
    tpu.vector_store %arg9[%swap3A_357], %swap3A_360 {strides = array<i32>} : memref<128xi32, #tpu.memory_space<vmem>>, vector<16xi32>,
    %add3A_361 = arith.constant 96 : i32
    %add3A_362 = arith.addi %sub3A_21, %add3A_361 : i32
    %iota3A_363 = tpu.iota {dimensions = array<i32: 0>} : vector<16xi32>
    %add3A_364 = vector.broadcast %add3A_362 : i32 to vector<16xi32>
    %add3A_365 = arith.addi %add3A_364, %iota3A_363 : vector<16xi32>
    %get3A_366 = arith.constant 96 : index
    %get3A_367 = tpu.vector_load %arg7[%get3A_366] {strides = array<i32>} : memref<128xi32, #tpu.memory_space<vmem>>, vector<16xi32>,
    %get3A_368 = vector.shape_cast %get3A_367 : vector<16xi32> to vector<16xi32>
    %get3A_369 = arith.constant 96 : index
    %get3A_370 = tpu.vector_load %arg8[%get3A_369] {strides = array<i32>} : memref<128xi32, #tpu.memory_space<vmem>>, vector<16xi32>,
    %get3A_371 = vector.shape_cast %get3A_370 : vector<16xi32> to vector<16xi32>
    %mul3A_372 = arith.constant 1025 : i32
    %mul3A_373 = vector.broadcast %mul3A_372 : i32 to vector<16xi32>
    %mul3A_374 = arith.muli %get3A_371, %mul3A_373 : vector<16xi32>
    %add3A_375 = vector.broadcast %mul3A_23 : i32 to vector<16xi32>
    %add3A_376 = arith.addi %add3A_375, %mul3A_374 : vector<16xi32>
    %add3A_377 = arith.addi %add3A_376, %add3A_365 : vector<16xi32>
    %and3A_378 = arith.constant 4095 : i32
    %and3A_379 = vector.broadcast %and3A_378 : i32 to vector<16xi32>
    %and3A_380 = arith.andi %add3A_377, %and3A_379 : vector<16xi32>
    %swap3A_381 = arith.constant 96 : index
    %swap3A_382 = tpu.vector_load %arg9[%swap3A_381] {strides = array<i32>} : memref<128xi32, #tpu.memory_space<vmem>>, vector<16xi32>,
    %swap3A_383 = vector.shape_cast %swap3A_382 : vector<16xi32> to vector<16xi32>
    %swap3A_384 = vector.shape_cast %and3A_380 : vector<16xi32> to vector<16xi32>
    tpu.vector_store %arg9[%swap3A_381], %swap3A_384 {strides = array<i32>} : memref<128xi32, #tpu.memory_space<vmem>>, vector<16xi32>,
    %add3A_385 = arith.constant 112 : i32
    %add3A_386 = arith.addi %sub3A_21, %add3A_385 : i32
    %iota3A_387 = tpu.iota {dimensions = array<i32: 0>} : vector<16xi32>
    %add3A_388 = vector.broadcast %add3A_386 : i32 to vector<16xi32>
    %add3A_389 = arith.addi %add3A_388, %iota3A_387 : vector<16xi32>
    %get3A_390 = arith.constant 112 : index
    %get3A_391 = tpu.vector_load %arg7[%get3A_390] {strides = array<i32>} : memref<128xi32, #tpu.memory_space<vmem>>, vector<16xi32>,
    %get3A_392 = vector.shape_cast %get3A_391 : vector<16xi32> to vector<16xi32>
    %get3A_393 = arith.constant 112 : index
    %get3A_394 = tpu.vector_load %arg8[%get3A_393] {strides = array<i32>} : memref<128xi32, #tpu.memory_space<vmem>>, vector<16xi32>,
    %get3A_395 = vector.shape_cast %get3A_394 : vector<16xi32> to vector<16xi32>
    %mul3A_396 = arith.constant 1025 : i32
    %mul3A_397 = vector.broadcast %mul3A_396 : i32 to vector<16xi32>
    %mul3A_398 = arith.muli %get3A_395, %mul3A_397 : vector<16xi32>
    %add3A_399 = vector.broadcast %mul3A_23 : i32 to vector<16xi32>
    %add3A_400 = arith.addi %add3A_399, %mul3A_398 : vector<16xi32>
    %add3A_401 = arith.addi %add3A_400, %add3A_389 : vector<16xi32>
    %and3A_402 = arith.constant 4095 : i32
    %and3A_403 = vector.broadcast %and3A_402 : i32 to vector<16xi32>
    %and3A_404 = arith.andi %add3A_401, %and3A_403 : vector<16xi32>
    %swap3A_405 = arith.constant 112 : index
    %swap3A_406 = tpu.vector_load %arg9[%swap3A_405] {strides = array<i32>} : memref<128xi32, #tpu.memory_space<vmem>>, vector<16xi32>,
    %swap3A_407 = vector.shape_cast %swap3A_406 : vector<16xi32> to vector<16xi32>
    %swap3A_408 = vector.shape_cast %and3A_404 : vector<16xi32> to vector<16xi32>
    tpu.vector_store %arg9[%swap3A_405], %swap3A_408 {strides = array<i32>} : memref<128xi32, #tpu.memory_space<vmem>>, vector<16xi32>,
    %dma_start3A_409 = arith.constant 0 : i32
    %dma_start3A_410 = tpu.memref_slice %arg2[%dma_start3A_409] : memref<4096xf32, #tpu.memory_space<hbm>> -> memref<4096xf32, #tpu.memory_space<hbm>>
    tpu.enqueue_indirect_dma source(%dma_start3A_410 : memref<4096xf32, #tpu.memory_space<hbm>>) target(%arg10 : memref<128xf32, #tpu.memory_space<vmem>>) offsets(%arg9 : memref<128xi32, #tpu.memory_space<vmem>>) semaphore(%arg11 : memref<!tpu.dma_semaphore, #tpu.memory_space<semaphore_mem>>)
    %dma_wait3A_411 = arith.constant 0 : i32
    %dma_wait3A_412 = tpu.memref_slice %arg2[%dma_wait3A_411] : memref<4096xf32, #tpu.memory_space<hbm>> -> memref<4096xf32, #tpu.memory_space<hbm>>
    tpu.wait_indirect_dma semaphore(%arg11 : memref<!tpu.dma_semaphore, #tpu.memory_space<semaphore_mem>>) src(%dma_wait3A_412 : memref<4096xf32, #tpu.memory_space<hbm>>) dst(%arg10 : memref<128xf32, #tpu.memory_space<vmem>>)
    %run_scoped3A_413 = arith.constant 1 : i32
    "tpu.region"() ({
      %run_scoped3A_808 = tpu.sem_alloc : memref<!tpu.dma_semaphore, #tpu.memory_space<semaphore_mem>>
      %dma_start3A_809 = tpu.memref_slice %arg6[%run_scoped3A_413, %mul3A_2] : memref<4x4096xf32, #tpu.memory_space<hbm>> -> memref<1x128xf32, #tpu.memory_space<hbm>>
      %dma_start3A_810 = tpu.memref_squeeze %dma_start3A_809 : memref<1x128xf32, #tpu.memory_space<hbm>> -> memref<128xf32, #tpu.memory_space<hbm>>
      %dma_start3A_811 = tpu.memref_slice %arg6[%run_scoped3A_413, %mul3A_2] : memref<4x4096xf32, #tpu.memory_space<hbm>> -> memref<1x128xf32, #tpu.memory_space<hbm>>
      %dma_start3A_812 = tpu.memref_squeeze %dma_start3A_811 : memref<1x128xf32, #tpu.memory_space<hbm>> -> memref<128xf32, #tpu.memory_space<hbm>>
      tpu.enqueue_dma source(%arg10 : memref<128xf32, #tpu.memory_space<vmem>>) target(%dma_start3A_812 : memref<128xf32, #tpu.memory_space<hbm>>) target_semaphore(%run_scoped3A_808 : memref<!tpu.dma_semaphore, #tpu.memory_space<semaphore_mem>>)
      %dma_wait3A_813 = tpu.memref_slice %arg6[%run_scoped3A_413, %mul3A_2] : memref<4x4096xf32, #tpu.memory_space<hbm>> -> memref<1x128xf32, #tpu.memory_space<hbm>>
      %dma_wait3A_814 = tpu.memref_squeeze %dma_wait3A_813 : memref<1x128xf32, #tpu.memory_space<hbm>> -> memref<128xf32, #tpu.memory_space<hbm>>
      %dma_wait3A_815 = tpu.memref_slice %arg6[%run_scoped3A_413, %mul3A_2] : memref<4x4096xf32, #tpu.memory_space<hbm>> -> memref<1x128xf32, #tpu.memory_space<hbm>>
      %dma_wait3A_816 = tpu.memref_squeeze %dma_wait3A_815 : memref<1x128xf32, #tpu.memory_space<hbm>> -> memref<128xf32, #tpu.memory_space<hbm>>
      tpu.wait_dma2 semaphore(%run_scoped3A_808 : memref<!tpu.dma_semaphore, #tpu.memory_space<semaphore_mem>>) src(%arg10 : memref<128xf32, #tpu.memory_space<vmem>>) dst(%dma_wait3A_816 : memref<128xf32, #tpu.memory_space<hbm>>)
      tpu.yield
    }) : () -> ()
    %add3A_414 = arith.constant 0 : i32
    %add3A_415 = arith.addi %sub3A_21, %add3A_414 : i32
    %iota3A_416 = tpu.iota {dimensions = array<i32: 0>} : vector<16xi32>
    %add3A_417 = vector.broadcast %add3A_415 : i32 to vector<16xi32>
    %add3A_418 = arith.addi %add3A_417, %iota3A_416 : vector<16xi32>
    %get3A_419 = arith.constant 0 : index
    %get3A_420 = tpu.vector_load %arg7[%get3A_419] {strides = array<i32>} : memref<128xi32, #tpu.memory_space<vmem>>, vector<16xi32>,
    %get3A_421 = vector.shape_cast %get3A_420 : vector<16xi32> to vector<16xi32>
    %get3A_422 = arith.constant 0 : index
    %get3A_423 = tpu.vector_load %arg8[%get3A_422] {strides = array<i32>} : memref<128xi32, #tpu.memory_space<vmem>>, vector<16xi32>,
    %get3A_424 = vector.shape_cast %get3A_423 : vector<16xi32> to vector<16xi32>
    %mul3A_425 = arith.constant 1024 : i32
    %mul3A_426 = vector.broadcast %mul3A_425 : i32 to vector<16xi32>
    %mul3A_427 = arith.muli %add3A_418, %mul3A_426 : vector<16xi32>
    %add3A_428 = vector.broadcast %mul3A_25 : i32 to vector<16xi32>
    %add3A_429 = arith.addi %add3A_428, %mul3A_427 : vector<16xi32>
    %add3A_430 = arith.addi %add3A_429, %get3A_421 : vector<16xi32>
    %and3A_431 = arith.constant 4095 : i32
    %and3A_432 = vector.broadcast %and3A_431 : i32 to vector<16xi32>
    %and3A_433 = arith.andi %add3A_430, %and3A_432 : vector<16xi32>
    %swap3A_434 = arith.constant 0 : index
    %swap3A_435 = tpu.vector_load %arg9[%swap3A_434] {strides = array<i32>} : memref<128xi32, #tpu.memory_space<vmem>>, vector<16xi32>,
    %swap3A_436 = vector.shape_cast %swap3A_435 : vector<16xi32> to vector<16xi32>
    %swap3A_437 = vector.shape_cast %and3A_433 : vector<16xi32> to vector<16xi32>
    tpu.vector_store %arg9[%swap3A_434], %swap3A_437 {strides = array<i32>} : memref<128xi32, #tpu.memory_space<vmem>>, vector<16xi32>,
    %add3A_438 = arith.constant 16 : i32
    %add3A_439 = arith.addi %sub3A_21, %add3A_438 : i32
    %iota3A_440 = tpu.iota {dimensions = array<i32: 0>} : vector<16xi32>
    %add3A_441 = vector.broadcast %add3A_439 : i32 to vector<16xi32>
    %add3A_442 = arith.addi %add3A_441, %iota3A_440 : vector<16xi32>
    %get3A_443 = arith.constant 16 : index
    %get3A_444 = tpu.vector_load %arg7[%get3A_443] {strides = array<i32>} : memref<128xi32, #tpu.memory_space<vmem>>, vector<16xi32>,
    %get3A_445 = vector.shape_cast %get3A_444 : vector<16xi32> to vector<16xi32>
    %get3A_446 = arith.constant 16 : index
    %get3A_447 = tpu.vector_load %arg8[%get3A_446] {strides = array<i32>} : memref<128xi32, #tpu.memory_space<vmem>>, vector<16xi32>,
    %get3A_448 = vector.shape_cast %get3A_447 : vector<16xi32> to vector<16xi32>
    %mul3A_449 = arith.constant 1024 : i32
    %mul3A_450 = vector.broadcast %mul3A_449 : i32 to vector<16xi32>
    %mul3A_451 = arith.muli %add3A_442, %mul3A_450 : vector<16xi32>
    %add3A_452 = vector.broadcast %mul3A_25 : i32 to vector<16xi32>
    %add3A_453 = arith.addi %add3A_452, %mul3A_451 : vector<16xi32>
    %add3A_454 = arith.addi %add3A_453, %get3A_445 : vector<16xi32>
    %and3A_455 = arith.constant 4095 : i32
    %and3A_456 = vector.broadcast %and3A_455 : i32 to vector<16xi32>
    %and3A_457 = arith.andi %add3A_454, %and3A_456 : vector<16xi32>
    %swap3A_458 = arith.constant 16 : index
    %swap3A_459 = tpu.vector_load %arg9[%swap3A_458] {strides = array<i32>} : memref<128xi32, #tpu.memory_space<vmem>>, vector<16xi32>,
    %swap3A_460 = vector.shape_cast %swap3A_459 : vector<16xi32> to vector<16xi32>
    %swap3A_461 = vector.shape_cast %and3A_457 : vector<16xi32> to vector<16xi32>
    tpu.vector_store %arg9[%swap3A_458], %swap3A_461 {strides = array<i32>} : memref<128xi32, #tpu.memory_space<vmem>>, vector<16xi32>,
    %add3A_462 = arith.constant 32 : i32
    %add3A_463 = arith.addi %sub3A_21, %add3A_462 : i32
    %iota3A_464 = tpu.iota {dimensions = array<i32: 0>} : vector<16xi32>
    %add3A_465 = vector.broadcast %add3A_463 : i32 to vector<16xi32>
    %add3A_466 = arith.addi %add3A_465, %iota3A_464 : vector<16xi32>
    %get3A_467 = arith.constant 32 : index
    %get3A_468 = tpu.vector_load %arg7[%get3A_467] {strides = array<i32>} : memref<128xi32, #tpu.memory_space<vmem>>, vector<16xi32>,
    %get3A_469 = vector.shape_cast %get3A_468 : vector<16xi32> to vector<16xi32>
    %get3A_470 = arith.constant 32 : index
    %get3A_471 = tpu.vector_load %arg8[%get3A_470] {strides = array<i32>} : memref<128xi32, #tpu.memory_space<vmem>>, vector<16xi32>,
    %get3A_472 = vector.shape_cast %get3A_471 : vector<16xi32> to vector<16xi32>
    %mul3A_473 = arith.constant 1024 : i32
    %mul3A_474 = vector.broadcast %mul3A_473 : i32 to vector<16xi32>
    %mul3A_475 = arith.muli %add3A_466, %mul3A_474 : vector<16xi32>
    %add3A_476 = vector.broadcast %mul3A_25 : i32 to vector<16xi32>
    %add3A_477 = arith.addi %add3A_476, %mul3A_475 : vector<16xi32>
    %add3A_478 = arith.addi %add3A_477, %get3A_469 : vector<16xi32>
    %and3A_479 = arith.constant 4095 : i32
    %and3A_480 = vector.broadcast %and3A_479 : i32 to vector<16xi32>
    %and3A_481 = arith.andi %add3A_478, %and3A_480 : vector<16xi32>
    %swap3A_482 = arith.constant 32 : index
    %swap3A_483 = tpu.vector_load %arg9[%swap3A_482] {strides = array<i32>} : memref<128xi32, #tpu.memory_space<vmem>>, vector<16xi32>,
    %swap3A_484 = vector.shape_cast %swap3A_483 : vector<16xi32> to vector<16xi32>
    %swap3A_485 = vector.shape_cast %and3A_481 : vector<16xi32> to vector<16xi32>
    tpu.vector_store %arg9[%swap3A_482], %swap3A_485 {strides = array<i32>} : memref<128xi32, #tpu.memory_space<vmem>>, vector<16xi32>,
    %add3A_486 = arith.constant 48 : i32
    %add3A_487 = arith.addi %sub3A_21, %add3A_486 : i32
    %iota3A_488 = tpu.iota {dimensions = array<i32: 0>} : vector<16xi32>
    %add3A_489 = vector.broadcast %add3A_487 : i32 to vector<16xi32>
    %add3A_490 = arith.addi %add3A_489, %iota3A_488 : vector<16xi32>
    %get3A_491 = arith.constant 48 : index
    %get3A_492 = tpu.vector_load %arg7[%get3A_491] {strides = array<i32>} : memref<128xi32, #tpu.memory_space<vmem>>, vector<16xi32>,
    %get3A_493 = vector.shape_cast %get3A_492 : vector<16xi32> to vector<16xi32>
    %get3A_494 = arith.constant 48 : index
    %get3A_495 = tpu.vector_load %arg8[%get3A_494] {strides = array<i32>} : memref<128xi32, #tpu.memory_space<vmem>>, vector<16xi32>,
    %get3A_496 = vector.shape_cast %get3A_495 : vector<16xi32> to vector<16xi32>
    %mul3A_497 = arith.constant 1024 : i32
    %mul3A_498 = vector.broadcast %mul3A_497 : i32 to vector<16xi32>
    %mul3A_499 = arith.muli %add3A_490, %mul3A_498 : vector<16xi32>
    %add3A_500 = vector.broadcast %mul3A_25 : i32 to vector<16xi32>
    %add3A_501 = arith.addi %add3A_500, %mul3A_499 : vector<16xi32>
    %add3A_502 = arith.addi %add3A_501, %get3A_493 : vector<16xi32>
    %and3A_503 = arith.constant 4095 : i32
    %and3A_504 = vector.broadcast %and3A_503 : i32 to vector<16xi32>
    %and3A_505 = arith.andi %add3A_502, %and3A_504 : vector<16xi32>
    %swap3A_506 = arith.constant 48 : index
    %swap3A_507 = tpu.vector_load %arg9[%swap3A_506] {strides = array<i32>} : memref<128xi32, #tpu.memory_space<vmem>>, vector<16xi32>,
    %swap3A_508 = vector.shape_cast %swap3A_507 : vector<16xi32> to vector<16xi32>
    %swap3A_509 = vector.shape_cast %and3A_505 : vector<16xi32> to vector<16xi32>
    tpu.vector_store %arg9[%swap3A_506], %swap3A_509 {strides = array<i32>} : memref<128xi32, #tpu.memory_space<vmem>>, vector<16xi32>,
    %add3A_510 = arith.constant 64 : i32
    %add3A_511 = arith.addi %sub3A_21, %add3A_510 : i32
    %iota3A_512 = tpu.iota {dimensions = array<i32: 0>} : vector<16xi32>
    %add3A_513 = vector.broadcast %add3A_511 : i32 to vector<16xi32>
    %add3A_514 = arith.addi %add3A_513, %iota3A_512 : vector<16xi32>
    %get3A_515 = arith.constant 64 : index
    %get3A_516 = tpu.vector_load %arg7[%get3A_515] {strides = array<i32>} : memref<128xi32, #tpu.memory_space<vmem>>, vector<16xi32>,
    %get3A_517 = vector.shape_cast %get3A_516 : vector<16xi32> to vector<16xi32>
    %get3A_518 = arith.constant 64 : index
    %get3A_519 = tpu.vector_load %arg8[%get3A_518] {strides = array<i32>} : memref<128xi32, #tpu.memory_space<vmem>>, vector<16xi32>,
    %get3A_520 = vector.shape_cast %get3A_519 : vector<16xi32> to vector<16xi32>
    %mul3A_521 = arith.constant 1024 : i32
    %mul3A_522 = vector.broadcast %mul3A_521 : i32 to vector<16xi32>
    %mul3A_523 = arith.muli %add3A_514, %mul3A_522 : vector<16xi32>
    %add3A_524 = vector.broadcast %mul3A_25 : i32 to vector<16xi32>
    %add3A_525 = arith.addi %add3A_524, %mul3A_523 : vector<16xi32>
    %add3A_526 = arith.addi %add3A_525, %get3A_517 : vector<16xi32>
    %and3A_527 = arith.constant 4095 : i32
    %and3A_528 = vector.broadcast %and3A_527 : i32 to vector<16xi32>
    %and3A_529 = arith.andi %add3A_526, %and3A_528 : vector<16xi32>
    %swap3A_530 = arith.constant 64 : index
    %swap3A_531 = tpu.vector_load %arg9[%swap3A_530] {strides = array<i32>} : memref<128xi32, #tpu.memory_space<vmem>>, vector<16xi32>,
    %swap3A_532 = vector.shape_cast %swap3A_531 : vector<16xi32> to vector<16xi32>
    %swap3A_533 = vector.shape_cast %and3A_529 : vector<16xi32> to vector<16xi32>
    tpu.vector_store %arg9[%swap3A_530], %swap3A_533 {strides = array<i32>} : memref<128xi32, #tpu.memory_space<vmem>>, vector<16xi32>,
    %add3A_534 = arith.constant 80 : i32
    %add3A_535 = arith.addi %sub3A_21, %add3A_534 : i32
    %iota3A_536 = tpu.iota {dimensions = array<i32: 0>} : vector<16xi32>
    %add3A_537 = vector.broadcast %add3A_535 : i32 to vector<16xi32>
    %add3A_538 = arith.addi %add3A_537, %iota3A_536 : vector<16xi32>
    %get3A_539 = arith.constant 80 : index
    %get3A_540 = tpu.vector_load %arg7[%get3A_539] {strides = array<i32>} : memref<128xi32, #tpu.memory_space<vmem>>, vector<16xi32>,
    %get3A_541 = vector.shape_cast %get3A_540 : vector<16xi32> to vector<16xi32>
    %get3A_542 = arith.constant 80 : index
    %get3A_543 = tpu.vector_load %arg8[%get3A_542] {strides = array<i32>} : memref<128xi32, #tpu.memory_space<vmem>>, vector<16xi32>,
    %get3A_544 = vector.shape_cast %get3A_543 : vector<16xi32> to vector<16xi32>
    %mul3A_545 = arith.constant 1024 : i32
    %mul3A_546 = vector.broadcast %mul3A_545 : i32 to vector<16xi32>
    %mul3A_547 = arith.muli %add3A_538, %mul3A_546 : vector<16xi32>
    %add3A_548 = vector.broadcast %mul3A_25 : i32 to vector<16xi32>
    %add3A_549 = arith.addi %add3A_548, %mul3A_547 : vector<16xi32>
    %add3A_550 = arith.addi %add3A_549, %get3A_541 : vector<16xi32>
    %and3A_551 = arith.constant 4095 : i32
    %and3A_552 = vector.broadcast %and3A_551 : i32 to vector<16xi32>
    %and3A_553 = arith.andi %add3A_550, %and3A_552 : vector<16xi32>
    %swap3A_554 = arith.constant 80 : index
    %swap3A_555 = tpu.vector_load %arg9[%swap3A_554] {strides = array<i32>} : memref<128xi32, #tpu.memory_space<vmem>>, vector<16xi32>,
    %swap3A_556 = vector.shape_cast %swap3A_555 : vector<16xi32> to vector<16xi32>
    %swap3A_557 = vector.shape_cast %and3A_553 : vector<16xi32> to vector<16xi32>
    tpu.vector_store %arg9[%swap3A_554], %swap3A_557 {strides = array<i32>} : memref<128xi32, #tpu.memory_space<vmem>>, vector<16xi32>,
    %add3A_558 = arith.constant 96 : i32
    %add3A_559 = arith.addi %sub3A_21, %add3A_558 : i32
    %iota3A_560 = tpu.iota {dimensions = array<i32: 0>} : vector<16xi32>
    %add3A_561 = vector.broadcast %add3A_559 : i32 to vector<16xi32>
    %add3A_562 = arith.addi %add3A_561, %iota3A_560 : vector<16xi32>
    %get3A_563 = arith.constant 96 : index
    %get3A_564 = tpu.vector_load %arg7[%get3A_563] {strides = array<i32>} : memref<128xi32, #tpu.memory_space<vmem>>, vector<16xi32>,
    %get3A_565 = vector.shape_cast %get3A_564 : vector<16xi32> to vector<16xi32>
    %get3A_566 = arith.constant 96 : index
    %get3A_567 = tpu.vector_load %arg8[%get3A_566] {strides = array<i32>} : memref<128xi32, #tpu.memory_space<vmem>>, vector<16xi32>,
    %get3A_568 = vector.shape_cast %get3A_567 : vector<16xi32> to vector<16xi32>
    %mul3A_569 = arith.constant 1024 : i32
    %mul3A_570 = vector.broadcast %mul3A_569 : i32 to vector<16xi32>
    %mul3A_571 = arith.muli %add3A_562, %mul3A_570 : vector<16xi32>
    %add3A_572 = vector.broadcast %mul3A_25 : i32 to vector<16xi32>
    %add3A_573 = arith.addi %add3A_572, %mul3A_571 : vector<16xi32>
    %add3A_574 = arith.addi %add3A_573, %get3A_565 : vector<16xi32>
    %and3A_575 = arith.constant 4095 : i32
    %and3A_576 = vector.broadcast %and3A_575 : i32 to vector<16xi32>
    %and3A_577 = arith.andi %add3A_574, %and3A_576 : vector<16xi32>
    %swap3A_578 = arith.constant 96 : index
    %swap3A_579 = tpu.vector_load %arg9[%swap3A_578] {strides = array<i32>} : memref<128xi32, #tpu.memory_space<vmem>>, vector<16xi32>,
    %swap3A_580 = vector.shape_cast %swap3A_579 : vector<16xi32> to vector<16xi32>
    %swap3A_581 = vector.shape_cast %and3A_577 : vector<16xi32> to vector<16xi32>
    tpu.vector_store %arg9[%swap3A_578], %swap3A_581 {strides = array<i32>} : memref<128xi32, #tpu.memory_space<vmem>>, vector<16xi32>,
    %add3A_582 = arith.constant 112 : i32
    %add3A_583 = arith.addi %sub3A_21, %add3A_582 : i32
    %iota3A_584 = tpu.iota {dimensions = array<i32: 0>} : vector<16xi32>
    %add3A_585 = vector.broadcast %add3A_583 : i32 to vector<16xi32>
    %add3A_586 = arith.addi %add3A_585, %iota3A_584 : vector<16xi32>
    %get3A_587 = arith.constant 112 : index
    %get3A_588 = tpu.vector_load %arg7[%get3A_587] {strides = array<i32>} : memref<128xi32, #tpu.memory_space<vmem>>, vector<16xi32>,
    %get3A_589 = vector.shape_cast %get3A_588 : vector<16xi32> to vector<16xi32>
    %get3A_590 = arith.constant 112 : index
    %get3A_591 = tpu.vector_load %arg8[%get3A_590] {strides = array<i32>} : memref<128xi32, #tpu.memory_space<vmem>>, vector<16xi32>,
    %get3A_592 = vector.shape_cast %get3A_591 : vector<16xi32> to vector<16xi32>
    %mul3A_593 = arith.constant 1024 : i32
    %mul3A_594 = vector.broadcast %mul3A_593 : i32 to vector<16xi32>
    %mul3A_595 = arith.muli %add3A_586, %mul3A_594 : vector<16xi32>
    %add3A_596 = vector.broadcast %mul3A_25 : i32 to vector<16xi32>
    %add3A_597 = arith.addi %add3A_596, %mul3A_595 : vector<16xi32>
    %add3A_598 = arith.addi %add3A_597, %get3A_589 : vector<16xi32>
    %and3A_599 = arith.constant 4095 : i32
    %and3A_600 = vector.broadcast %and3A_599 : i32 to vector<16xi32>
    %and3A_601 = arith.andi %add3A_598, %and3A_600 : vector<16xi32>
    %swap3A_602 = arith.constant 112 : index
    %swap3A_603 = tpu.vector_load %arg9[%swap3A_602] {strides = array<i32>} : memref<128xi32, #tpu.memory_space<vmem>>, vector<16xi32>,
    %swap3A_604 = vector.shape_cast %swap3A_603 : vector<16xi32> to vector<16xi32>
    %swap3A_605 = vector.shape_cast %and3A_601 : vector<16xi32> to vector<16xi32>
    tpu.vector_store %arg9[%swap3A_602], %swap3A_605 {strides = array<i32>} : memref<128xi32, #tpu.memory_space<vmem>>, vector<16xi32>,
    %dma_start3A_606 = arith.constant 0 : i32
    %dma_start3A_607 = tpu.memref_slice %arg3[%dma_start3A_606] : memref<4096xf32, #tpu.memory_space<hbm>> -> memref<4096xf32, #tpu.memory_space<hbm>>
    tpu.enqueue_indirect_dma source(%dma_start3A_607 : memref<4096xf32, #tpu.memory_space<hbm>>) target(%arg10 : memref<128xf32, #tpu.memory_space<vmem>>) offsets(%arg9 : memref<128xi32, #tpu.memory_space<vmem>>) semaphore(%arg11 : memref<!tpu.dma_semaphore, #tpu.memory_space<semaphore_mem>>)
    %dma_wait3A_608 = arith.constant 0 : i32
    %dma_wait3A_609 = tpu.memref_slice %arg3[%dma_wait3A_608] : memref<4096xf32, #tpu.memory_space<hbm>> -> memref<4096xf32, #tpu.memory_space<hbm>>
    tpu.wait_indirect_dma semaphore(%arg11 : memref<!tpu.dma_semaphore, #tpu.memory_space<semaphore_mem>>) src(%dma_wait3A_609 : memref<4096xf32, #tpu.memory_space<hbm>>) dst(%arg10 : memref<128xf32, #tpu.memory_space<vmem>>)
    %run_scoped3A_610 = arith.constant 2 : i32
    "tpu.region"() ({
      %run_scoped3A_808 = tpu.sem_alloc : memref<!tpu.dma_semaphore, #tpu.memory_space<semaphore_mem>>
      %dma_start3A_809 = tpu.memref_slice %arg6[%run_scoped3A_610, %mul3A_2] : memref<4x4096xf32, #tpu.memory_space<hbm>> -> memref<1x128xf32, #tpu.memory_space<hbm>>
      %dma_start3A_810 = tpu.memref_squeeze %dma_start3A_809 : memref<1x128xf32, #tpu.memory_space<hbm>> -> memref<128xf32, #tpu.memory_space<hbm>>
      %dma_start3A_811 = tpu.memref_slice %arg6[%run_scoped3A_610, %mul3A_2] : memref<4x4096xf32, #tpu.memory_space<hbm>> -> memref<1x128xf32, #tpu.memory_space<hbm>>
      %dma_start3A_812 = tpu.memref_squeeze %dma_start3A_811 : memref<1x128xf32, #tpu.memory_space<hbm>> -> memref<128xf32, #tpu.memory_space<hbm>>
      tpu.enqueue_dma source(%arg10 : memref<128xf32, #tpu.memory_space<vmem>>) target(%dma_start3A_812 : memref<128xf32, #tpu.memory_space<hbm>>) target_semaphore(%run_scoped3A_808 : memref<!tpu.dma_semaphore, #tpu.memory_space<semaphore_mem>>)
      %dma_wait3A_813 = tpu.memref_slice %arg6[%run_scoped3A_610, %mul3A_2] : memref<4x4096xf32, #tpu.memory_space<hbm>> -> memref<1x128xf32, #tpu.memory_space<hbm>>
      %dma_wait3A_814 = tpu.memref_squeeze %dma_wait3A_813 : memref<1x128xf32, #tpu.memory_space<hbm>> -> memref<128xf32, #tpu.memory_space<hbm>>
      %dma_wait3A_815 = tpu.memref_slice %arg6[%run_scoped3A_610, %mul3A_2] : memref<4x4096xf32, #tpu.memory_space<hbm>> -> memref<1x128xf32, #tpu.memory_space<hbm>>
      %dma_wait3A_816 = tpu.memref_squeeze %dma_wait3A_815 : memref<1x128xf32, #tpu.memory_space<hbm>> -> memref<128xf32, #tpu.memory_space<hbm>>
      tpu.wait_dma2 semaphore(%run_scoped3A_808 : memref<!tpu.dma_semaphore, #tpu.memory_space<semaphore_mem>>) src(%arg10 : memref<128xf32, #tpu.memory_space<vmem>>) dst(%dma_wait3A_816 : memref<128xf32, #tpu.memory_space<hbm>>)
      tpu.yield
    }) : () -> ()
    %add3A_611 = arith.constant 0 : i32
    %add3A_612 = arith.addi %sub3A_21, %add3A_611 : i32
    %iota3A_613 = tpu.iota {dimensions = array<i32: 0>} : vector<16xi32>
    %add3A_614 = vector.broadcast %add3A_612 : i32 to vector<16xi32>
    %add3A_615 = arith.addi %add3A_614, %iota3A_613 : vector<16xi32>
    %get3A_616 = arith.constant 0 : index
    %get3A_617 = tpu.vector_load %arg7[%get3A_616] {strides = array<i32>} : memref<128xi32, #tpu.memory_space<vmem>>, vector<16xi32>,
    %get3A_618 = vector.shape_cast %get3A_617 : vector<16xi32> to vector<16xi32>
    %get3A_619 = arith.constant 0 : index
    %get3A_620 = tpu.vector_load %arg8[%get3A_619] {strides = array<i32>} : memref<128xi32, #tpu.memory_space<vmem>>, vector<16xi32>,
    %get3A_621 = vector.shape_cast %get3A_620 : vector<16xi32> to vector<16xi32>
    %mul3A_622 = arith.constant 1024 : i32
    %mul3A_623 = vector.broadcast %mul3A_622 : i32 to vector<16xi32>
    %mul3A_624 = arith.muli %get3A_621, %mul3A_623 : vector<16xi32>
    %add3A_625 = vector.broadcast %mul3A_25 : i32 to vector<16xi32>
    %add3A_626 = arith.addi %add3A_625, %mul3A_624 : vector<16xi32>
    %add3A_627 = arith.addi %add3A_626, %add3A_615 : vector<16xi32>
    %and3A_628 = arith.constant 4095 : i32
    %and3A_629 = vector.broadcast %and3A_628 : i32 to vector<16xi32>
    %and3A_630 = arith.andi %add3A_627, %and3A_629 : vector<16xi32>
    %swap3A_631 = arith.constant 0 : index
    %swap3A_632 = tpu.vector_load %arg9[%swap3A_631] {strides = array<i32>} : memref<128xi32, #tpu.memory_space<vmem>>, vector<16xi32>,
    %swap3A_633 = vector.shape_cast %swap3A_632 : vector<16xi32> to vector<16xi32>
    %swap3A_634 = vector.shape_cast %and3A_630 : vector<16xi32> to vector<16xi32>
    tpu.vector_store %arg9[%swap3A_631], %swap3A_634 {strides = array<i32>} : memref<128xi32, #tpu.memory_space<vmem>>, vector<16xi32>,
    %add3A_635 = arith.constant 16 : i32
    %add3A_636 = arith.addi %sub3A_21, %add3A_635 : i32
    %iota3A_637 = tpu.iota {dimensions = array<i32: 0>} : vector<16xi32>
    %add3A_638 = vector.broadcast %add3A_636 : i32 to vector<16xi32>
    %add3A_639 = arith.addi %add3A_638, %iota3A_637 : vector<16xi32>
    %get3A_640 = arith.constant 16 : index
    %get3A_641 = tpu.vector_load %arg7[%get3A_640] {strides = array<i32>} : memref<128xi32, #tpu.memory_space<vmem>>, vector<16xi32>,
    %get3A_642 = vector.shape_cast %get3A_641 : vector<16xi32> to vector<16xi32>
    %get3A_643 = arith.constant 16 : index
    %get3A_644 = tpu.vector_load %arg8[%get3A_643] {strides = array<i32>} : memref<128xi32, #tpu.memory_space<vmem>>, vector<16xi32>,
    %get3A_645 = vector.shape_cast %get3A_644 : vector<16xi32> to vector<16xi32>
    %mul3A_646 = arith.constant 1024 : i32
    %mul3A_647 = vector.broadcast %mul3A_646 : i32 to vector<16xi32>
    %mul3A_648 = arith.muli %get3A_645, %mul3A_647 : vector<16xi32>
    %add3A_649 = vector.broadcast %mul3A_25 : i32 to vector<16xi32>
    %add3A_650 = arith.addi %add3A_649, %mul3A_648 : vector<16xi32>
    %add3A_651 = arith.addi %add3A_650, %add3A_639 : vector<16xi32>
    %and3A_652 = arith.constant 4095 : i32
    %and3A_653 = vector.broadcast %and3A_652 : i32 to vector<16xi32>
    %and3A_654 = arith.andi %add3A_651, %and3A_653 : vector<16xi32>
    %swap3A_655 = arith.constant 16 : index
    %swap3A_656 = tpu.vector_load %arg9[%swap3A_655] {strides = array<i32>} : memref<128xi32, #tpu.memory_space<vmem>>, vector<16xi32>,
    %swap3A_657 = vector.shape_cast %swap3A_656 : vector<16xi32> to vector<16xi32>
    %swap3A_658 = vector.shape_cast %and3A_654 : vector<16xi32> to vector<16xi32>
    tpu.vector_store %arg9[%swap3A_655], %swap3A_658 {strides = array<i32>} : memref<128xi32, #tpu.memory_space<vmem>>, vector<16xi32>,
    %add3A_659 = arith.constant 32 : i32
    %add3A_660 = arith.addi %sub3A_21, %add3A_659 : i32
    %iota3A_661 = tpu.iota {dimensions = array<i32: 0>} : vector<16xi32>
    %add3A_662 = vector.broadcast %add3A_660 : i32 to vector<16xi32>
    %add3A_663 = arith.addi %add3A_662, %iota3A_661 : vector<16xi32>
    %get3A_664 = arith.constant 32 : index
    %get3A_665 = tpu.vector_load %arg7[%get3A_664] {strides = array<i32>} : memref<128xi32, #tpu.memory_space<vmem>>, vector<16xi32>,
    %get3A_666 = vector.shape_cast %get3A_665 : vector<16xi32> to vector<16xi32>
    %get3A_667 = arith.constant 32 : index
    %get3A_668 = tpu.vector_load %arg8[%get3A_667] {strides = array<i32>} : memref<128xi32, #tpu.memory_space<vmem>>, vector<16xi32>,
    %get3A_669 = vector.shape_cast %get3A_668 : vector<16xi32> to vector<16xi32>
    %mul3A_670 = arith.constant 1024 : i32
    %mul3A_671 = vector.broadcast %mul3A_670 : i32 to vector<16xi32>
    %mul3A_672 = arith.muli %get3A_669, %mul3A_671 : vector<16xi32>
    %add3A_673 = vector.broadcast %mul3A_25 : i32 to vector<16xi32>
    %add3A_674 = arith.addi %add3A_673, %mul3A_672 : vector<16xi32>
    %add3A_675 = arith.addi %add3A_674, %add3A_663 : vector<16xi32>
    %and3A_676 = arith.constant 4095 : i32
    %and3A_677 = vector.broadcast %and3A_676 : i32 to vector<16xi32>
    %and3A_678 = arith.andi %add3A_675, %and3A_677 : vector<16xi32>
    %swap3A_679 = arith.constant 32 : index
    %swap3A_680 = tpu.vector_load %arg9[%swap3A_679] {strides = array<i32>} : memref<128xi32, #tpu.memory_space<vmem>>, vector<16xi32>,
    %swap3A_681 = vector.shape_cast %swap3A_680 : vector<16xi32> to vector<16xi32>
    %swap3A_682 = vector.shape_cast %and3A_678 : vector<16xi32> to vector<16xi32>
    tpu.vector_store %arg9[%swap3A_679], %swap3A_682 {strides = array<i32>} : memref<128xi32, #tpu.memory_space<vmem>>, vector<16xi32>,
    %add3A_683 = arith.constant 48 : i32
    %add3A_684 = arith.addi %sub3A_21, %add3A_683 : i32
    %iota3A_685 = tpu.iota {dimensions = array<i32: 0>} : vector<16xi32>
    %add3A_686 = vector.broadcast %add3A_684 : i32 to vector<16xi32>
    %add3A_687 = arith.addi %add3A_686, %iota3A_685 : vector<16xi32>
    %get3A_688 = arith.constant 48 : index
    %get3A_689 = tpu.vector_load %arg7[%get3A_688] {strides = array<i32>} : memref<128xi32, #tpu.memory_space<vmem>>, vector<16xi32>,
    %get3A_690 = vector.shape_cast %get3A_689 : vector<16xi32> to vector<16xi32>
    %get3A_691 = arith.constant 48 : index
    %get3A_692 = tpu.vector_load %arg8[%get3A_691] {strides = array<i32>} : memref<128xi32, #tpu.memory_space<vmem>>, vector<16xi32>,
    %get3A_693 = vector.shape_cast %get3A_692 : vector<16xi32> to vector<16xi32>
    %mul3A_694 = arith.constant 1024 : i32
    %mul3A_695 = vector.broadcast %mul3A_694 : i32 to vector<16xi32>
    %mul3A_696 = arith.muli %get3A_693, %mul3A_695 : vector<16xi32>
    %add3A_697 = vector.broadcast %mul3A_25 : i32 to vector<16xi32>
    %add3A_698 = arith.addi %add3A_697, %mul3A_696 : vector<16xi32>
    %add3A_699 = arith.addi %add3A_698, %add3A_687 : vector<16xi32>
    %and3A_700 = arith.constant 4095 : i32
    %and3A_701 = vector.broadcast %and3A_700 : i32 to vector<16xi32>
    %and3A_702 = arith.andi %add3A_699, %and3A_701 : vector<16xi32>
    %swap3A_703 = arith.constant 48 : index
    %swap3A_704 = tpu.vector_load %arg9[%swap3A_703] {strides = array<i32>} : memref<128xi32, #tpu.memory_space<vmem>>, vector<16xi32>,
    %swap3A_705 = vector.shape_cast %swap3A_704 : vector<16xi32> to vector<16xi32>
    %swap3A_706 = vector.shape_cast %and3A_702 : vector<16xi32> to vector<16xi32>
    tpu.vector_store %arg9[%swap3A_703], %swap3A_706 {strides = array<i32>} : memref<128xi32, #tpu.memory_space<vmem>>, vector<16xi32>,
    %add3A_707 = arith.constant 64 : i32
    %add3A_708 = arith.addi %sub3A_21, %add3A_707 : i32
    %iota3A_709 = tpu.iota {dimensions = array<i32: 0>} : vector<16xi32>
    %add3A_710 = vector.broadcast %add3A_708 : i32 to vector<16xi32>
    %add3A_711 = arith.addi %add3A_710, %iota3A_709 : vector<16xi32>
    %get3A_712 = arith.constant 64 : index
    %get3A_713 = tpu.vector_load %arg7[%get3A_712] {strides = array<i32>} : memref<128xi32, #tpu.memory_space<vmem>>, vector<16xi32>,
    %get3A_714 = vector.shape_cast %get3A_713 : vector<16xi32> to vector<16xi32>
    %get3A_715 = arith.constant 64 : index
    %get3A_716 = tpu.vector_load %arg8[%get3A_715] {strides = array<i32>} : memref<128xi32, #tpu.memory_space<vmem>>, vector<16xi32>,
    %get3A_717 = vector.shape_cast %get3A_716 : vector<16xi32> to vector<16xi32>
    %mul3A_718 = arith.constant 1024 : i32
    %mul3A_719 = vector.broadcast %mul3A_718 : i32 to vector<16xi32>
    %mul3A_720 = arith.muli %get3A_717, %mul3A_719 : vector<16xi32>
    %add3A_721 = vector.broadcast %mul3A_25 : i32 to vector<16xi32>
    %add3A_722 = arith.addi %add3A_721, %mul3A_720 : vector<16xi32>
    %add3A_723 = arith.addi %add3A_722, %add3A_711 : vector<16xi32>
    %and3A_724 = arith.constant 4095 : i32
    %and3A_725 = vector.broadcast %and3A_724 : i32 to vector<16xi32>
    %and3A_726 = arith.andi %add3A_723, %and3A_725 : vector<16xi32>
    %swap3A_727 = arith.constant 64 : index
    %swap3A_728 = tpu.vector_load %arg9[%swap3A_727] {strides = array<i32>} : memref<128xi32, #tpu.memory_space<vmem>>, vector<16xi32>,
    %swap3A_729 = vector.shape_cast %swap3A_728 : vector<16xi32> to vector<16xi32>
    %swap3A_730 = vector.shape_cast %and3A_726 : vector<16xi32> to vector<16xi32>
    tpu.vector_store %arg9[%swap3A_727], %swap3A_730 {strides = array<i32>} : memref<128xi32, #tpu.memory_space<vmem>>, vector<16xi32>,
    %add3A_731 = arith.constant 80 : i32
    %add3A_732 = arith.addi %sub3A_21, %add3A_731 : i32
    %iota3A_733 = tpu.iota {dimensions = array<i32: 0>} : vector<16xi32>
    %add3A_734 = vector.broadcast %add3A_732 : i32 to vector<16xi32>
    %add3A_735 = arith.addi %add3A_734, %iota3A_733 : vector<16xi32>
    %get3A_736 = arith.constant 80 : index
    %get3A_737 = tpu.vector_load %arg7[%get3A_736] {strides = array<i32>} : memref<128xi32, #tpu.memory_space<vmem>>, vector<16xi32>,
    %get3A_738 = vector.shape_cast %get3A_737 : vector<16xi32> to vector<16xi32>
    %get3A_739 = arith.constant 80 : index
    %get3A_740 = tpu.vector_load %arg8[%get3A_739] {strides = array<i32>} : memref<128xi32, #tpu.memory_space<vmem>>, vector<16xi32>,
    %get3A_741 = vector.shape_cast %get3A_740 : vector<16xi32> to vector<16xi32>
    %mul3A_742 = arith.constant 1024 : i32
    %mul3A_743 = vector.broadcast %mul3A_742 : i32 to vector<16xi32>
    %mul3A_744 = arith.muli %get3A_741, %mul3A_743 : vector<16xi32>
    %add3A_745 = vector.broadcast %mul3A_25 : i32 to vector<16xi32>
    %add3A_746 = arith.addi %add3A_745, %mul3A_744 : vector<16xi32>
    %add3A_747 = arith.addi %add3A_746, %add3A_735 : vector<16xi32>
    %and3A_748 = arith.constant 4095 : i32
    %and3A_749 = vector.broadcast %and3A_748 : i32 to vector<16xi32>
    %and3A_750 = arith.andi %add3A_747, %and3A_749 : vector<16xi32>
    %swap3A_751 = arith.constant 80 : index
    %swap3A_752 = tpu.vector_load %arg9[%swap3A_751] {strides = array<i32>} : memref<128xi32, #tpu.memory_space<vmem>>, vector<16xi32>,
    %swap3A_753 = vector.shape_cast %swap3A_752 : vector<16xi32> to vector<16xi32>
    %swap3A_754 = vector.shape_cast %and3A_750 : vector<16xi32> to vector<16xi32>
    tpu.vector_store %arg9[%swap3A_751], %swap3A_754 {strides = array<i32>} : memref<128xi32, #tpu.memory_space<vmem>>, vector<16xi32>,
    %add3A_755 = arith.constant 96 : i32
    %add3A_756 = arith.addi %sub3A_21, %add3A_755 : i32
    %iota3A_757 = tpu.iota {dimensions = array<i32: 0>} : vector<16xi32>
    %add3A_758 = vector.broadcast %add3A_756 : i32 to vector<16xi32>
    %add3A_759 = arith.addi %add3A_758, %iota3A_757 : vector<16xi32>
    %get3A_760 = arith.constant 96 : index
    %get3A_761 = tpu.vector_load %arg7[%get3A_760] {strides = array<i32>} : memref<128xi32, #tpu.memory_space<vmem>>, vector<16xi32>,
    %get3A_762 = vector.shape_cast %get3A_761 : vector<16xi32> to vector<16xi32>
    %get3A_763 = arith.constant 96 : index
    %get3A_764 = tpu.vector_load %arg8[%get3A_763] {strides = array<i32>} : memref<128xi32, #tpu.memory_space<vmem>>, vector<16xi32>,
    %get3A_765 = vector.shape_cast %get3A_764 : vector<16xi32> to vector<16xi32>
    %mul3A_766 = arith.constant 1024 : i32
    %mul3A_767 = vector.broadcast %mul3A_766 : i32 to vector<16xi32>
    %mul3A_768 = arith.muli %get3A_765, %mul3A_767 : vector<16xi32>
    %add3A_769 = vector.broadcast %mul3A_25 : i32 to vector<16xi32>
    %add3A_770 = arith.addi %add3A_769, %mul3A_768 : vector<16xi32>
    %add3A_771 = arith.addi %add3A_770, %add3A_759 : vector<16xi32>
    %and3A_772 = arith.constant 4095 : i32
    %and3A_773 = vector.broadcast %and3A_772 : i32 to vector<16xi32>
    %and3A_774 = arith.andi %add3A_771, %and3A_773 : vector<16xi32>
    %swap3A_775 = arith.constant 96 : index
    %swap3A_776 = tpu.vector_load %arg9[%swap3A_775] {strides = array<i32>} : memref<128xi32, #tpu.memory_space<vmem>>, vector<16xi32>,
    %swap3A_777 = vector.shape_cast %swap3A_776 : vector<16xi32> to vector<16xi32>
    %swap3A_778 = vector.shape_cast %and3A_774 : vector<16xi32> to vector<16xi32>
    tpu.vector_store %arg9[%swap3A_775], %swap3A_778 {strides = array<i32>} : memref<128xi32, #tpu.memory_space<vmem>>, vector<16xi32>,
    %add3A_779 = arith.constant 112 : i32
    %add3A_780 = arith.addi %sub3A_21, %add3A_779 : i32
    %iota3A_781 = tpu.iota {dimensions = array<i32: 0>} : vector<16xi32>
    %add3A_782 = vector.broadcast %add3A_780 : i32 to vector<16xi32>
    %add3A_783 = arith.addi %add3A_782, %iota3A_781 : vector<16xi32>
    %get3A_784 = arith.constant 112 : index
    %get3A_785 = tpu.vector_load %arg7[%get3A_784] {strides = array<i32>} : memref<128xi32, #tpu.memory_space<vmem>>, vector<16xi32>,
    %get3A_786 = vector.shape_cast %get3A_785 : vector<16xi32> to vector<16xi32>
    %get3A_787 = arith.constant 112 : index
    %get3A_788 = tpu.vector_load %arg8[%get3A_787] {strides = array<i32>} : memref<128xi32, #tpu.memory_space<vmem>>, vector<16xi32>,
    %get3A_789 = vector.shape_cast %get3A_788 : vector<16xi32> to vector<16xi32>
    %mul3A_790 = arith.constant 1024 : i32
    %mul3A_791 = vector.broadcast %mul3A_790 : i32 to vector<16xi32>
    %mul3A_792 = arith.muli %get3A_789, %mul3A_791 : vector<16xi32>
    %add3A_793 = vector.broadcast %mul3A_25 : i32 to vector<16xi32>
    %add3A_794 = arith.addi %add3A_793, %mul3A_792 : vector<16xi32>
    %add3A_795 = arith.addi %add3A_794, %add3A_783 : vector<16xi32>
    %and3A_796 = arith.constant 4095 : i32
    %and3A_797 = vector.broadcast %and3A_796 : i32 to vector<16xi32>
    %and3A_798 = arith.andi %add3A_795, %and3A_797 : vector<16xi32>
    %swap3A_799 = arith.constant 112 : index
    %swap3A_800 = tpu.vector_load %arg9[%swap3A_799] {strides = array<i32>} : memref<128xi32, #tpu.memory_space<vmem>>, vector<16xi32>,
    %swap3A_801 = vector.shape_cast %swap3A_800 : vector<16xi32> to vector<16xi32>
    %swap3A_802 = vector.shape_cast %and3A_798 : vector<16xi32> to vector<16xi32>
    tpu.vector_store %arg9[%swap3A_799], %swap3A_802 {strides = array<i32>} : memref<128xi32, #tpu.memory_space<vmem>>, vector<16xi32>,
    %dma_start3A_803 = arith.constant 0 : i32
    %dma_start3A_804 = tpu.memref_slice %arg3[%dma_start3A_803] : memref<4096xf32, #tpu.memory_space<hbm>> -> memref<4096xf32, #tpu.memory_space<hbm>>
    tpu.enqueue_indirect_dma source(%dma_start3A_804 : memref<4096xf32, #tpu.memory_space<hbm>>) target(%arg10 : memref<128xf32, #tpu.memory_space<vmem>>) offsets(%arg9 : memref<128xi32, #tpu.memory_space<vmem>>) semaphore(%arg11 : memref<!tpu.dma_semaphore, #tpu.memory_space<semaphore_mem>>)
    %dma_wait3A_805 = arith.constant 0 : i32
    %dma_wait3A_806 = tpu.memref_slice %arg3[%dma_wait3A_805] : memref<4096xf32, #tpu.memory_space<hbm>> -> memref<4096xf32, #tpu.memory_space<hbm>>
    tpu.wait_indirect_dma semaphore(%arg11 : memref<!tpu.dma_semaphore, #tpu.memory_space<semaphore_mem>>) src(%dma_wait3A_806 : memref<4096xf32, #tpu.memory_space<hbm>>) dst(%arg10 : memref<128xf32, #tpu.memory_space<vmem>>)
    %run_scoped3A_807 = arith.constant 3 : i32
    "tpu.region"() ({
      %run_scoped3A_808 = tpu.sem_alloc : memref<!tpu.dma_semaphore, #tpu.memory_space<semaphore_mem>>
      %dma_start3A_809 = tpu.memref_slice %arg6[%run_scoped3A_807, %mul3A_2] : memref<4x4096xf32, #tpu.memory_space<hbm>> -> memref<1x128xf32, #tpu.memory_space<hbm>>
      %dma_start3A_810 = tpu.memref_squeeze %dma_start3A_809 : memref<1x128xf32, #tpu.memory_space<hbm>> -> memref<128xf32, #tpu.memory_space<hbm>>
      %dma_start3A_811 = tpu.memref_slice %arg6[%run_scoped3A_807, %mul3A_2] : memref<4x4096xf32, #tpu.memory_space<hbm>> -> memref<1x128xf32, #tpu.memory_space<hbm>>
      %dma_start3A_812 = tpu.memref_squeeze %dma_start3A_811 : memref<1x128xf32, #tpu.memory_space<hbm>> -> memref<128xf32, #tpu.memory_space<hbm>>
      tpu.enqueue_dma source(%arg10 : memref<128xf32, #tpu.memory_space<vmem>>) target(%dma_start3A_812 : memref<128xf32, #tpu.memory_space<hbm>>) target_semaphore(%run_scoped3A_808 : memref<!tpu.dma_semaphore, #tpu.memory_space<semaphore_mem>>)
      %dma_wait3A_813 = tpu.memref_slice %arg6[%run_scoped3A_807, %mul3A_2] : memref<4x4096xf32, #tpu.memory_space<hbm>> -> memref<1x128xf32, #tpu.memory_space<hbm>>
      %dma_wait3A_814 = tpu.memref_squeeze %dma_wait3A_813 : memref<1x128xf32, #tpu.memory_space<hbm>> -> memref<128xf32, #tpu.memory_space<hbm>>
      %dma_wait3A_815 = tpu.memref_slice %arg6[%run_scoped3A_807, %mul3A_2] : memref<4x4096xf32, #tpu.memory_space<hbm>> -> memref<1x128xf32, #tpu.memory_space<hbm>>
      %dma_wait3A_816 = tpu.memref_squeeze %dma_wait3A_815 : memref<1x128xf32, #tpu.memory_space<hbm>> -> memref<128xf32, #tpu.memory_space<hbm>>
      tpu.wait_dma2 semaphore(%run_scoped3A_808 : memref<!tpu.dma_semaphore, #tpu.memory_space<semaphore_mem>>) src(%arg10 : memref<128xf32, #tpu.memory_space<vmem>>) dst(%dma_wait3A_816 : memref<128xf32, #tpu.memory_space<hbm>>)
      tpu.yield
    }) : () -> ()
    return
  }
}

</mosaic_0001>

<sc_bundles>
// kernel: kernel.3.cloned.1.call-start
scs
__scs_entry_jumppad:
0x0: {  	(pc) =	sbr.rel $0x88, $3  }
0x1: {  	(tag) =	ssettag $0x0;
	lr =	simm.s32 $0x1  }
0x2: {  	[smem:$0x3F9F] =	sst lr;
	_ =	strace $0xD0000000  }
0x3: {  	_ = 	snop  }
0x4: {  	_ = 	snop  }
0x5: {  	_ = 	snop  }
0x6: {  	_ = 	snop  }
0x7: {  	_ = 	snop  }
__scs_overlays_trampoline_lowered:
0x8: {  	[smem:$0x3FAE] =	sst s0  }
0x9: {  	[smem:$0x3FAF] =	sst s1  }
0xa: {  	[smem:$0x3FB0] =	sst s2  }
0xb: {  	[smem:$0x3FB1] =	sst s3  }
0xc: {  	[smem:$0x3FB2] =	sst s4  }
0xd: {  	[smem:$0x3FB3] =	sst s5  }
0xe: {  	[smem:$0x3FB4] =	sst s6  }
0xf: {  	[smem:$0x3FB5] =	sst s7  }
0x10: {  	[smem:$0x3FB6] =	sst s8  }
0x11: {  	[smem:$0x3FB7] =	sst s9;
	s0 =	simm.s32 @!p0 $0x0  }
0x12: {  	s1 =	sld [smem:$0x3F9D];
	s0 =	simm.s32 @p0 $0x1  }
0x13: {  	[smem:$0x3FB8] =	sst s0;
	s0 =	simm.s32 @!p1 $0x0  }
0x14: {  	s2 =	sld [smem:$0x3F9C];
	s0 =	simm.s32 @p1 $0x1  }
0x15: {  	[smem:$0x3FB9] =	sst s0;
	s0 =	simm.s32 @!p2 $0x0  }
0x16: {  	s3 =	sld [smem:$0x3FDB];
	s0 =	simm.s32 @p2 $0x1  }
0x17: {  	s4 =	simm.s32 $0x1BF5;
	[smem:$0x3FBB] =	sst s0  }
0x18: {  	s0 =	sld [smem:$0x3F9E];
	_ =	swait.ge [sflag:s4], $0x0  }
0x19: {  	s7 =	sld [smem:$0x3F9F]  }
0x1a: {  	s8 =	sadd.s32 $0xFFFFE003, lr  }
0x1b: {  	s9 =	sadd.s32 $0xFFFFFEF7, lr;
	s5 =	simm.s32 $0xFFFFFFFF;
	p2 =	slt.u32 s8, $0xFFFFF086  }
0x1c: {  	p1 =	slt.u32 s9, $0xF7A;
	s5 =	simm.s32 @!p2 $0x0  }
0x1d: {  	s5 =	simm.s32 @p1 $0x1;
	p0 =	seq.s32 s7, s2  }
0x1e: {  	s7 =	smul.u32 @!p0 $0xF7A, s2;
	p2 =	seq.s32 @!p0 s5, $0x0  }
0x1f: {  	s9 =	smul.u32 $0xF7A, s1;
	s8 =	simm.s32 @!p0 $0x1BF5;
	p2 =	por !p2, p0  }
0x20: {  	[sflag:s8] =	ssyncset.s32 @!p0 $0xFFFFF086;
	s6 =	sadd.s32 @!p0 s3, s7;
	s7 =	simm.s32 @!p0 $0x108  }
0x21: {  	s3 =	sadd.s32 s3, s9;
	s6 =	sadd.s32 @!p0 $0x88, s6;
	s7 =	simm.s32 @p2 $0x1082  }
0x22: {  	[simem:s7], [sflag:s8] =	dma.local @!p0 [hbm:s6], $0xF7A  }
0x23: {  	s9 =	sor.u32 $0xD0000000, s2;
	s6 =	simm.s32 $0x108;
	_ =	swait.ge @!p0 [sflag:s8], $0x0  }
0x24: {  	s3 =	sadd.s32 $0x88, s3;
	s6 =	simm.s32 @!p1 $0x1082;
	[sflag:s4] =	ssyncset.s32 $0xFFFFF086  }
0x25: {  	[simem:s6], [sflag:s4] =	dma.local [hbm:s3], $0xF7A  }
0x26: {  	[smem:$0x3F9F] =	sst s1;
	(tag) =	ssettag s2;
	_ =	strace s9  }
0x27: {  	s1 =	sld [smem:$0x3FAF]  }
0x28: {  	s2 =	sld [smem:$0x3FB0]  }
0x29: {  	s4 =	sld [smem:$0x3FB2]  }
0x2a: {  	p0 =	seq.s32 s5, $0x0;
	s5 =	sld [smem:$0x3FB3]  }
0x2b: {  	s6 =	sld [smem:$0x3FB4]  }
0x2c: {  	s7 =	sld [smem:$0x3FB5]  }
0x2d: {  	s3 =	simm.s32 $0x108;
	s8 =	sld [smem:$0x3FB6]  }
0x2e: {  	s3 =	simm.s32 @!p0 $0x1082;
	s9 =	sld [smem:$0x3FB7]  }
0x2f: {  	lr =	sadd.s32 s0, s3;
	s0 =	sld [smem:$0x3FAE]  }
0x30: {  	s3 =	sld [smem:$0x3FB1]  }
0x31: {  	[smem:$0x3FBA] =	sst s10  }
0x32: {  	s10 =	sld [smem:$0x3FB8];
	_ =	sdelay $0x3  }
0x33: {  	p0 =	seq.s32 s10, $0x1;
	s10 =	sld [smem:$0x3FBA];
	_ =	sdelay $0x3  }
0x34: {  	[smem:$0x3FBA] =	sst s10  }
0x35: {  	s10 =	sld [smem:$0x3FB9];
	_ =	sdelay $0x3  }
0x36: {  	p1 =	seq.s32 s10, $0x1;
	s10 =	sld [smem:$0x3FBA];
	_ =	sdelay $0x3  }
0x37: {  	[smem:$0x3FBA] =	sst s10  }
0x38: {  	s10 =	sld [smem:$0x3FBB]  }
0x39: {  	_ = 	snop;
	(pc) =	sbr.ind lr, $3  }
0x3a: {  	_ = 	snop  }
0x3b: {  	_ = 	snop  }
0x3c: {  	p2 =	seq.s32 s10, $0x1;
	s10 =	sld [smem:$0x3FBA]  }
0x3d: {  	_ =	shalt  }
0x3e: {  	_ =	shalt  }
0x3f: {  	_ =	shalt  }
0x40: {  	_ =	shalt  }
0x41: {  	_ =	shalt  }
0x42: {  	_ =	shalt  }
0x43: {  	_ =	shalt  }
0x44: {  	_ =	shalt  }
0x45: {  	_ =	shalt  }
0x46: {  	_ =	shalt  }
0x47: {  	_ =	shalt  }
0x48: {  	_ =	shalt  }
0x49: {  	_ =	shalt  }
0x4a: {  	_ =	shalt  }
0x4b: {  	_ =	shalt  }
0x4c: {  	_ =	shalt  }
0x4d: {  	_ =	shalt  }
0x4e: {  	_ =	shalt  }
0x4f: {  	_ =	shalt  }
0x50: {  	_ =	shalt  }
0x51: {  	_ =	shalt  }
0x52: {  	_ =	shalt  }
0x53: {  	_ =	shalt  }
0x54: {  	_ =	shalt  }
0x55: {  	_ =	shalt  }
0x56: {  	_ =	shalt  }
0x57: {  	_ =	shalt  }
0x58: {  	_ =	shalt  }
0x59: {  	_ =	shalt  }
0x5a: {  	_ =	shalt  }
0x5b: {  	_ =	shalt  }
0x5c: {  	_ =	shalt  }
0x5d: {  	_ =	shalt  }
0x5e: {  	_ =	shalt  }
0x5f: {  	_ =	shalt  }
0x60: {  	_ =	shalt  }
0x61: {  	_ =	shalt  }
0x62: {  	_ =	shalt  }
0x63: {  	_ =	shalt  }
0x64: {  	_ =	shalt  }
0x65: {  	_ =	shalt  }
0x66: {  	_ =	shalt  }
0x67: {  	_ =	shalt  }
0x68: {  	_ =	shalt  }
0x69: {  	_ =	shalt  }
0x6a: {  	_ =	shalt  }
0x6b: {  	_ =	shalt  }
0x6c: {  	_ =	shalt  }
0x6d: {  	_ =	shalt  }
0x6e: {  	_ =	shalt  }
0x6f: {  	_ =	shalt  }
0x70: {  	_ =	shalt  }
0x71: {  	_ =	shalt  }
0x72: {  	_ =	shalt  }
0x73: {  	_ =	shalt  }
0x74: {  	_ =	shalt  }
0x75: {  	_ =	shalt  }
0x76: {  	_ =	shalt  }
0x77: {  	_ =	shalt  }
0x78: {  	_ =	shalt  }
0x79: {  	_ =	shalt  }
0x7a: {  	_ =	shalt  }
0x7b: {  	_ =	shalt  }
0x7c: {  	_ =	shalt  }
0x7d: {  	_ =	shalt  }
0x7e: {  	_ =	shalt  }
0x7f: {  	_ =	shalt  }
0x80: {  	_ =	shalt  }
0x81: {  	_ =	shalt  }
0x82: {  	_ =	shalt  }
0x83: {  	_ =	shalt  }
0x84: {  	_ =	shalt  }
0x85: {  	_ =	shalt  }
0x86: {  	_ =	shalt  }
0x87: {  	_ =	shalt  }
.Lfunc_end0:
.L_simem_size_0:
called_computation_lowered:
.L_overlay_start_0:
0x88: {  	s2 =	sld [smem:$0x3FD9]  }
0x89: {  	s3 =	sld [smem:$0x3FFE];
	_ =	sdelay $0x1  }
0x8a: {  	s1 =	srdreg.scid  }
0x8b: {  	s0 =	sand.u32 $0x1, s1  }
0x8c: {  	s16 =	sshll.u32 s0, $0xA;
	s2 =	sadd.s32 s3, s2  }
0x8d: {  	s2 =	sadd.s32 s2, s16  }
0x8e: {  	[smem:$0x3FC6] =	sst s2  }
0x8f: {  	_ = 	snop  }
0x90: {  	(tm) =	ssettm $0x1  }
0x91: {  	s17 =	sld [smem:$0x3FFB];
	_ =	sdelay $0x3  }
0x92: {  	_ =	strace s17  }
0x93: {  	s2 =	sld [smem:$0x3FFC];
	_ =	sdelay $0x3  }
0x94: {  	_ =	strace s2  }
0x95: {  	s2 =	sld [smem:$0x3FFD];
	_ =	sdelay $0x3  }
0x96: {  	_ =	strace s2  }
0x97: {  	_ =	strace $0x8FFFFFFF  }
0x98: {  	s18 =	sld [smem:$0x3FDB];
	_ =	sdelay $0x1  }
0x99: {  	s19 =	simm.s32 $_scs_section_size  }
0x9a: {  	s4 =	simm.s32 $_size__tile_overlayer_lowered;
	s5 =	simm.s32 $_tile_overlayer_lowered  }
0x9b: {  	s22 =	simm.s32 $0x1BFF;
	s21 =	sshll.u32 s5, $0x1;
	s2 =	sadd.s32 s19, s18  }
0x9c: {  	s6 =	simm.s32 $0x0;
	s20 =	sshll.u32 s4, $0x1;
	s4 =	sadd.s32 s21, s2  }
0x9d: {  	[timem:s6], [sflag:s22] =	dma.local [hbm:s4], s20  }
0x9e: {  	_ =	swait.ge [sflag:s22], s20  }
0x9f: {  	s3 =	ssub.s32 $0x0, s20;
	[sflag:s22] =	ssyncset.done $0x0  }
0xa0: {  	[sflag:s22] =	ssyncadd.s32 s3;
	_ =	sdelay $0x1  }
0xa1: {  	s23 =	simm.s32 $0x1B8B  }
0xa2: {  	_ =	swait.ge [sflag:s23], $0x1  }
0xa3: {  	[sflag:s23] =	ssyncset.done $0x0  }
0xa4: {  	s25 =	simm.s32 $0x1B8E;
	s24 =	sld [smem:$0x3FFE];
	[sflag:s23] =	ssyncadd.s32 $0xFFFFFFFF  }
0xa5: {  	s26 =	simm.s32 $execute0_lowered;
	[smem:$0x3FD2] =	sst s25  }
0xa6: {  	s4 =	sshll.u32 s26, $0x1;
	_ =	strace $0x80000046;
	[dreg:$0x1] =	wrdreg $0xFFFFFFFF  }
0xa7: {  	s28 =	simm.s32 $_size_execute0_lowered;
	s2 =	sadd.s32 s2, s4;
	[dreg:$0x0] =	wrdreg $0x0  }
0xa8: {  	s4 =	sshll.u32 s28, $0x1;
	[dreg:$0x2] =	wrdreg s2  }
0xa9: {  	[dreg:$0x3] =	wrdreg s4  }
0xaa: {  	[dreg:$0x4] =	wrdreg $0xC0  }
0xab: {  	_ =	task [dreg:s6], $0x5FFFF  }
0xac: {  	[dreg:$0x1] =	wrdreg $0xFFFFFFFF  }
0xad: {  	[dreg:$0x0] =	wrdreg $0x60  }
0xae: {  	[dreg:$0x2] =	wrdreg s24  }
0xaf: {  	[dreg:$0x3] =	wrdreg $0x9  }
0xb0: {  	_ =	task.clear_ibuf [dreg:s6], $0x4FFFF;
	_ =	strace $0x90000046  }
0xb1: {  	s29 =	simm.s32 $0x9;
	_ =	strace $0x80000048  }
0xb2: {  	_ =	swait.ge [sflag:s29], $0x1  }
0xb3: {  	[sflag:s29] =	ssyncadd.s32 $0xFFFFFFFF  }
0xb4: {  	_ =	strace $0x90000048  }
0xb5: {  	_ =	sfence  }
0xb6: {  	s30 =	sld [smem:$0x0];
	_ =	sdelay $0x2  }
0xb7: {  	s31 =	sshll.u32 s1, $0xD;
	s1 =	sshrl.u32 s1, $0x2  }
0xb8: {  	s3 =	sand.u32 $0x4000, s31;
	s1 =	sadd.s32 s1, s30  }
0xb9: {  	s0 =	sor.u32 s3, s0;
	s1 =	sshll.u32 s1, $0x11  }
0xba: {  	s0 =	sor.u32 s1, s0  }
0xbb: {  	s0 =	sadd.s32 $0x8F2B, s0  }
0xbc: {  	[sflag:s0] =	ssyncadd.remote.s32 $0x1  }
0xbd: {  	_ =	sfence.sel $0xFFFF  }
0xbe: {  	[dreg:$0x0] =	wrdreg $0xFFFFFFFF;
	(pc) =	sbr.abs _section_cstart, $3  }
0xbf: {  	[dreg:$0x1] =	wrdreg $0xFFFFFFFF  }
0xc0: {  	_ =	task.clear_ibuf [dreg:s6], $0x2FFFF;
	_ =	strace $0x9FFFFFFF  }
0xc1: {  	(tm) =	ssettm $0x7FFFFFFF  }
tec
execute0_lowered:
.L_overlay_start_1:
0x0: {  	(tag) =	ssettag $0x1  }
0x1: {  	s1 =	srdreg.scid  }
0x2: {  	s0 =	stileid.u32;
	s12 =	sand.u32 $0x1, s1  }
0x3: {  	s26 =	sshll.u32 s0, $0x8;
	s2 =	sshll.u32 s12, $0x7  }
0x4: {  	s10 =	rddreg [dreg:$0x0];
	s13 =	sor.u32 s2, s26  }
0x5: {  	s1 =	rddreg [dreg:$0x1];
	s2 =	simm.s32 $0x0;
	s3 =	sshrl.u32 s13, $0x3  }
0x6: {  	[smem:$0x7FF] =	sst s2;
	s4 =	sadd.s32 s3, s10  }
0x7: {  	_ =	strace $0x80000047;
	s3 =	simm.s32 $0x2;
	s8 =	sadd.s32 $0xA00, s4  }
0x8: {  	[tilespmem:s2], [sflag:$0x2] =	stream.linear.gather [hbm4b:s8+s2], $0x80, $0x38;
	[tilespmem:$0x200] =	vst v63  }
0x9: {  	_ =	swait.ge [sflag:s3], $0x80  }
0xa: {  	[sflag:s3] =	ssyncset.done $0x0  }
0xb: {  	s9 =	sadd.s32 $0x800, s4;
	s4 =	simm.s32 $0x80;
	[sflag:s3] =	ssyncadd.s32 $0xFFFFFF80  }
0xc: {  	[tilespmem:s4], [sflag:$0x2] =	stream.linear.gather [hbm4b:s9+s2], $0x80, $0x38;
	[tilespmem:$0x200] =	vst v63  }
0xd: {  	_ =	swait.ge [sflag:s3], $0x80  }
0xe: {  	[sflag:s3] =	ssyncset.done $0x0  }
0xf: {  	v27 =	vlaneseq.u32;
	s5 =	sand.u32 $0x380, s13;
	[sflag:s3] =	ssyncadd.s32 $0xFFFFFF80  }
0x10: {  	s6 =	sor.u32 $0x10, s5;
	v4 =	vor.u32 s5, v27;
	s11 =	sor.u32 $0x30, s5;
	s15 =	sor.u32 $0x50, s5;
	v7 =	vld [tilespmem:$0x50]  }
0x11: {  	s7 =	sshrl.u32 s0, $0x2;
	s29 =	sor.u32 $0x70, s5;
	v2 =	vor.u32 s6, v27;
	v3 =	vor.u32 s11, v27;
	v0 =	vor.u32 s15, v27;
	v12 =	vld [tilespmem:$0x70]  }
0x12: {  	s14 =	smul.u32 $0x100801, s7;
	s28 =	sor.u32 $0x20, s5;
	v1 =	vor.u32 s29, v27;
	v6 =	vmul.u32 $0x401, v2;
	v9 =	vmul.u32 $0x401, v3;
	v13 =	vld [tilespmem:$0x30]  }
0x13: {  	v5 =	vor.u32 s28, v27;
	v10 =	vmul.u32 $0x401, v0;
	v11 =	vmul.u32 $0x401, v1;
	v17 =	vld [tilespmem:$0x10]  }
0x14: {  	s30 =	sor.u32 $0x60, s5;
	v14 =	vmul.u32 $0x401, v5;
	v8 =	vadd.s32 s14, v6;
	v9 =	vadd.s32 s14, v9  }
0x15: {  	s5 =	sor.u32 $0x40, s5;
	v10 =	vadd.s32 s14, v10;
	v6 =	vor.u32 s30, v27;
	v11 =	vadd.s32 s14, v11;
	v16 =	vld [tilespmem:$0x60]  }
0x16: {  	v18 =	vmul.u32 $0x401, v6;
	v19 =	vld [tilespmem:$0x20];
	v20 =	vadd.s32 v7, v10;
	v7 =	vor.u32 s5, v27  }
0x17: {  	v21 =	vld [tilespmem:$0x40];
	v22 =	vadd.s32 v12, v11;
	v13 =	vadd.s32 v13, v9;
	v20 =	vand.u32 $0xFFF, v20  }
0x18: {  	v12 =	vadd.s32 s14, v18;
	v18 =	vld [tilespmem:$0x0];
	v17 =	vadd.s32 v17, v8;
	v23 =	vand.u32 $0xFFF, v13;
	[tilespmem:$0x150] =	vst v20  }
0x19: {  	v17 =	vand.u32 $0xFFF, v17;
	v20 =	vand.u32 $0xFFF, v22;
	v22 =	vmul.u32 $0x401, v7;
	[tilespmem:$0x130] =	vst v23  }
0x1a: {  	v15 =	vmul.u32 $0x401, v4;
	v16 =	vadd.s32 v16, v12;
	v13 =	vadd.s32 s14, v14;
	[tilespmem:$0x110] =	vst v17  }
0x1b: {  	v16 =	vand.u32 $0xFFF, v16;
	v19 =	vadd.s32 v19, v13;
	[tilespmem:$0x170] =	vst v20;
	v14 =	vadd.s32 s14, v22  }
0x1c: {  	v15 =	vadd.s32 s14, v15;
	[tilespmem:$0x160] =	vst v16;
	v16 =	vand.u32 $0xFFF, v19;
	v17 =	vadd.s32 v21, v14  }
0x1d: {  	[tilespmem:$0x120] =	vst v16;
	v18 =	vadd.s32 v18, v15;
	v16 =	vand.u32 $0xFFF, v17  }
0x1e: {  	s7 =	simm.s32 $0x100;
	v17 =	vand.u32 $0xFFF, v18;
	[tilespmem:$0x140] =	vst v16  }
0x1f: {  	s11 =	sadd.s32 $0x400, s10;
	s6 =	simm.s32 $0x1;
	s5 =	simm.s32 $0x180;
	[tilespmem:$0x100] =	vst v17  }
0x20: {  	[tilespmem:s5], [sflag:$0x1] =	stream.indirect.gather [hbm4b:s11+s4], $0x1, s7, s4, $0xb8;
	[tilespmem:$0x200] =	vst v63  }
0x21: {  	s13 =	sshrl.u32 s13, $0x1;
	_ =	swait.ge [sflag:s6], $0x80  }
0x22: {  	s16 =	sadd.s32 s13, s10;
	[sflag:s6] =	ssyncset.done $0x0  }
0x23: {  	s13 =	sadd.s32 $0xC00, s16;
	[sflag:s6] =	ssyncadd.s32 $0xFFFFFF80  }
0x24: {  	[hbm4b:s13+s2] =	stream.linear.scatter [tilespmem:s5], [sflag:$0x2], $0x80, $0x38;
	[tilespmem:$0x200] =	vst v63  }
0x25: {  	_ =	swait.ge [sflag:s3], $0x80  }
0x26: {  	[sflag:s3] =	ssyncset.done $0x0  }
0x27: {  	[sflag:s3] =	ssyncadd.s32 $0xFFFFFF80  }
0x28: {  	v20 =	vld [tilespmem:$0xA0]  }
0x29: {  	v23 =	vld [tilespmem:$0xD0]  }
0x2a: {  	v22 =	vld [tilespmem:$0xB0]  }
0x2b: {  	v24 =	vld [tilespmem:$0x80]  }
0x2c: {  	v19 =	vadd.s32 s14, v3;
	v21 =	vadd.s32 s14, v0;
	v26 =	vld [tilespmem:$0x90]  }
0x2d: {  	v18 =	vadd.s32 s14, v5;
	v16 =	vadd.s32 s14, v4;
	v25 =	vld [tilespmem:$0xC0];
	v28 =	vmul.u32 $0x401, v20  }
0x2e: {  	v17 =	vadd.s32 s14, v2;
	v29 =	vld [tilespmem:$0xF0];
	v20 =	vadd.s32 s14, v7;
	v23 =	vmul.u32 $0x401, v23  }
0x2f: {  	v31 =	vld [tilespmem:$0xE0];
	v30 =	vmul.u32 $0x401, v22;
	v22 =	vadd.s32 s14, v1;
	v28 =	vadd.s32 v28, v18  }
0x30: {  	v24 =	vmul.u32 $0x401, v24;
	v23 =	vadd.s32 v23, v21;
	v28 =	vand.u32 $0xFFF, v28  }
0x31: {  	v26 =	vmul.u32 $0x401, v26;
	v30 =	vadd.s32 v30, v19;
	v23 =	vand.u32 $0xFFF, v23;
	[tilespmem:$0x120] =	vst v28  }
0x32: {  	v25 =	vmul.u32 $0x401, v25;
	v24 =	vadd.s32 v24, v16;
	v28 =	vand.u32 $0xFFF, v30;
	[tilespmem:$0x150] =	vst v23  }
0x33: {  	v26 =	vadd.s32 v26, v17;
	v24 =	vand.u32 $0xFFF, v24;
	[tilespmem:$0x130] =	vst v28;
	v28 =	vmul.u32 $0x401, v29  }
0x34: {  	v25 =	vadd.s32 v25, v20;
	v26 =	vand.u32 $0xFFF, v26;
	[tilespmem:$0x100] =	vst v24;
	v29 =	vmul.u32 $0x401, v31  }
0x35: {  	v24 =	vand.u32 $0xFFF, v25;
	v23 =	vadd.s32 s14, v6;
	[tilespmem:$0x110] =	vst v26;
	v25 =	vadd.s32 v28, v22  }
0x36: {  	[tilespmem:$0x140] =	vst v24;
	v24 =	vadd.s32 v29, v23;
	v25 =	vand.u32 $0xFFF, v25  }
0x37: {  	s12 =	ssub.s32 $0x2, s12;
	v24 =	vand.u32 $0xFFF, v24;
	[tilespmem:$0x170] =	vst v25  }
0x38: {  	s31 =	sshrl.u32 s12, $0x1;
	[tilespmem:$0x160] =	vst v24  }
0x39: {  	[tilespmem:s5], [sflag:$0x1] =	stream.indirect.gather [hbm4b:s11+s4], $0x1, s7, s4, $0xb8;
	[tilespmem:$0x200] =	vst v63  }
0x3a: {  	s12 =	ssub.s32 s12, s31;
	_ =	swait.ge [sflag:s6], $0x80  }
0x3b: {  	s17 =	smax.u32 s12, $0x1;
	[sflag:s6] =	ssyncset.done $0x0  }
0x3c: {  	s15 =	sadd.s32 $0xC10, s16;
	p0 =	sne.s32 s17, $0x1;
	[sflag:s6] =	ssyncadd.s32 $0xFFFFFF80  }
0x3d: {  	[hbm4b:s15+s2] =	stream.linear.scatter [tilespmem:s5], [sflag:$0x2], $0x80, $0x38;
	[tilespmem:$0x200] =	vst v63  }
.Ltmp0:
0x3e: {  	_ = 	snop;
	(pc) =	sbr.rel @!p0 .LBB2_2-.Ltmp0, $4  }
0x3f: {  	_ =	swait.ge [sflag:s3], $0x80  }
0x40: {  	v27 =	vmul.u32 $0x400, v27;
	v30 =	vshll.u32 v5, $0xA;
	[sflag:s3] =	ssyncset.done $0x0  }
0x41: {  	s10 =	sadd.s32 $0x600, s10;
	v26 =	vshll.u32 v6, $0xA;
	v31 =	vshll.u32 v2, $0xA;
	v29 =	vshll.u32 v3, $0xA;
	[sflag:s3] =	ssyncadd.s32 $0xFFFFFF80  }
0x42: {  	s12 =	sadd.s32 $0xC30, s16;
	s14 =	sadd.s32 $0xC20, s16;
	s16 =	sadd.s32 $0xFFFFFFFF, s17;
	v28 =	vshll.u32 v7, $0xA;
	v25 =	vshll.u32 v0, $0xA;
	v24 =	vshll.u32 v1, $0xA;
	v32 =	vld [tilespmem:$0x10]  }
.LBB2_1:
0x43: {  	p0 =	sne.s32 s16, $0x1;
	s16 =	sadd.s32 $0xFFFFFFFF, s16;
	v33 =	vld [tilespmem:$0x0]  }
0x44: {  	v34 =	vld [tilespmem:$0x20]  }
0x45: {  	v35 =	vld [tilespmem:$0x30]  }
0x46: {  	v36 =	vld [tilespmem:$0x40]  }
0x47: {  	v37 =	vld [tilespmem:$0x50]  }
0x48: {  	v32 =	vadd.s32 v31, v32;
	v33 =	vadd.s32 v27, v33;
	v38 =	vld [tilespmem:$0x60]  }
0x49: {  	v32 =	vand.u32 $0xFFF, v32;
	v33 =	vand.u32 $0xFFF, v33;
	v34 =	vadd.s32 v30, v34;
	v39 =	vld [tilespmem:$0x70]  }
0x4a: {  	[tilespmem:$0x110] =	vst v32;
	v32 =	vand.u32 $0xFFF, v34;
	v34 =	vadd.s32 v29, v35  }
0x4b: {  	[tilespmem:$0x120] =	vst v32;
	v32 =	vand.u32 $0xFFF, v34;
	v34 =	vadd.s32 v28, v36  }
0x4c: {  	[tilespmem:$0x130] =	vst v32;
	v32 =	vand.u32 $0xFFF, v34;
	v34 =	vadd.s32 v25, v37  }
0x4d: {  	[tilespmem:$0x140] =	vst v32;
	v32 =	vand.u32 $0xFFF, v34;
	v34 =	vadd.s32 v26, v38  }
0x4e: {  	[tilespmem:$0x150] =	vst v32;
	v32 =	vand.u32 $0xFFF, v34;
	v34 =	vadd.s32 v24, v39  }
0x4f: {  	[tilespmem:$0x160] =	vst v32;
	v32 =	vand.u32 $0xFFF, v34  }
0x50: {  	[tilespmem:$0x170] =	vst v32  }
0x51: {  	[tilespmem:$0x100] =	vst v33  }
0x52: {  	[tilespmem:s5], [sflag:$0x1] =	stream.indirect.gather [hbm4b:s10+s4], $0x1, s7, s4, $0xb8;
	[tilespmem:$0x200] =	vst v63  }
0x53: {  	_ =	swait.ge [sflag:s6], $0x80  }
0x54: {  	[sflag:s6] =	ssyncset.done $0x0  }
0x55: {  	[sflag:s6] =	ssyncadd.s32 $0xFFFFFF80  }
0x56: {  	[hbm4b:s14+s2] =	stream.linear.scatter [tilespmem:s5], [sflag:$0x2], $0x80, $0x38;
	[tilespmem:$0x200] =	vst v63  }
0x57: {  	_ =	swait.ge [sflag:s3], $0x80  }
0x58: {  	[sflag:s3] =	ssyncset.done $0x0  }
0x59: {  	[sflag:s3] =	ssyncadd.s32 $0xFFFFFF80  }
0x5a: {  	v32 =	vld [tilespmem:$0x80]  }
0x5b: {  	v33 =	vld [tilespmem:$0x90]  }
0x5c: {  	v34 =	vld [tilespmem:$0xA0]  }
0x5d: {  	v35 =	vld [tilespmem:$0xB0]  }
0x5e: {  	v36 =	vld [tilespmem:$0xC0]  }
0x5f: {  	v32 =	vshll.u32 v32, $0xA;
	v37 =	vld [tilespmem:$0xE0]  }
0x60: {  	v32 =	vand.u32 $0xC00, v32;
	v33 =	vshll.u32 v33, $0xA;
	v38 =	vld [tilespmem:$0xF0]  }
0x61: {  	v32 =	vor.u32 v4, v32;
	v33 =	vand.u32 $0xC00, v33;
	v34 =	vshll.u32 v34, $0xA;
	v39 =	vld [tilespmem:$0xD0]  }
0x62: {  	[tilespmem:$0x100] =	vst v32;
	v32 =	vor.u32 v2, v33;
	v33 =	vand.u32 $0xC00, v34;
	v34 =	vshll.u32 v35, $0xA  }
0x63: {  	[tilespmem:$0x110] =	vst v32;
	v32 =	vor.u32 v5, v33;
	v33 =	vand.u32 $0xC00, v34;
	v34 =	vshll.u32 v36, $0xA  }
0x64: {  	[tilespmem:$0x120] =	vst v32;
	v32 =	vor.u32 v3, v33;
	v33 =	vand.u32 $0xC00, v34;
	v34 =	vshll.u32 v37, $0xA  }
0x65: {  	[tilespmem:$0x130] =	vst v32;
	v32 =	vor.u32 v7, v33;
	v33 =	vand.u32 $0xC00, v34;
	v34 =	vshll.u32 v38, $0xA  }
0x66: {  	[tilespmem:$0x140] =	vst v32;
	v32 =	vshll.u32 v39, $0xA;
	v33 =	vor.u32 v6, v33;
	v34 =	vand.u32 $0xC00, v34  }
0x67: {  	v32 =	vand.u32 $0xC00, v32;
	[tilespmem:$0x160] =	vst v33;
	v33 =	vor.u32 v1, v34  }
0x68: {  	v32 =	vor.u32 v0, v32;
	[tilespmem:$0x170] =	vst v33  }
0x69: {  	[tilespmem:$0x150] =	vst v32  }
0x6a: {  	[tilespmem:s5], [sflag:$0x1] =	stream.indirect.gather [hbm4b:s10+s4], $0x1, s7, s4, $0xb8;
	[tilespmem:$0x200] =	vst v63  }
0x6b: {  	_ =	swait.ge [sflag:s6], $0x80  }
0x6c: {  	[sflag:s6] =	ssyncset.done $0x0  }
0x6d: {  	[sflag:s6] =	ssyncadd.s32 $0xFFFFFF80  }
0x6e: {  	[hbm4b:s12+s2] =	stream.linear.scatter [tilespmem:s5], [sflag:$0x2], $0x80, $0x38;
	[tilespmem:$0x200] =	vst v63  }
0x6f: {  	_ =	swait.ge [sflag:s3], $0x80  }
0x70: {  	[sflag:s3] =	ssyncset.done $0x0  }
0x71: {  	[sflag:s3] =	ssyncadd.s32 $0xFFFFFF80  }
0x72: {  	[tilespmem:s2], [sflag:$0x2] =	stream.linear.gather [hbm4b:s8+s2], $0x80, $0x38;
	[tilespmem:$0x200] =	vst v63  }
0x73: {  	_ =	swait.ge [sflag:s3], $0x80  }
0x74: {  	[sflag:s3] =	ssyncset.done $0x0  }
0x75: {  	[sflag:s3] =	ssyncadd.s32 $0xFFFFFF80  }
0x76: {  	[tilespmem:s4], [sflag:$0x2] =	stream.linear.gather [hbm4b:s9+s2], $0x80, $0x38;
	[tilespmem:$0x200] =	vst v63  }
0x77: {  	_ =	swait.ge [sflag:s3], $0x80  }
0x78: {  	[sflag:s3] =	ssyncset.done $0x0  }
0x79: {  	[sflag:s3] =	ssyncadd.s32 $0xFFFFFF80  }
0x7a: {  	v32 =	vld [tilespmem:$0x50]  }
0x7b: {  	v33 =	vld [tilespmem:$0x70]  }
0x7c: {  	v34 =	vld [tilespmem:$0x30]  }
0x7d: {  	v35 =	vld [tilespmem:$0x60]  }
0x7e: {  	v36 =	vld [tilespmem:$0x10]  }
0x7f: {  	v37 =	vld [tilespmem:$0x20];
	v32 =	vadd.s32 v32, v10  }
0x80: {  	v38 =	vld [tilespmem:$0x40];
	v32 =	vand.u32 $0xFFF, v32;
	v33 =	vadd.s32 v33, v11  }
0x81: {  	v39 =	vld [tilespmem:$0x0];
	v34 =	vadd.s32 v34, v9;
	[tilespmem:$0x150] =	vst v32;
	v32 =	vand.u32 $0xFFF, v33  }
0x82: {  	v33 =	vand.u32 $0xFFF, v34;
	v34 =	vadd.s32 v35, v12;
	[tilespmem:$0x170] =	vst v32  }
0x83: {  	v32 =	vadd.s32 v36, v8;
	[tilespmem:$0x130] =	vst v33;
	v33 =	vand.u32 $0xFFF, v34  }
0x84: {  	v32 =	vand.u32 $0xFFF, v32;
	v34 =	vadd.s32 v37, v13;
	[tilespmem:$0x160] =	vst v33  }
0x85: {  	[tilespmem:$0x110] =	vst v32;
	v32 =	vand.u32 $0xFFF, v34;
	v33 =	vadd.s32 v38, v14  }
0x86: {  	v34 =	vadd.s32 v39, v15;
	[tilespmem:$0x120] =	vst v32;
	v32 =	vand.u32 $0xFFF, v33  }
0x87: {  	v33 =	vand.u32 $0xFFF, v34;
	[tilespmem:$0x140] =	vst v32  }
0x88: {  	[tilespmem:$0x100] =	vst v33  }
0x89: {  	[tilespmem:s5], [sflag:$0x1] =	stream.indirect.gather [hbm4b:s11+s4], $0x1, s7, s4, $0xb8;
	[tilespmem:$0x200] =	vst v63  }
0x8a: {  	_ =	swait.ge [sflag:s6], $0x80  }
0x8b: {  	[sflag:s6] =	ssyncset.done $0x0  }
0x8c: {  	[sflag:s6] =	ssyncadd.s32 $0xFFFFFF80  }
0x8d: {  	[hbm4b:s13+s2] =	stream.linear.scatter [tilespmem:s5], [sflag:$0x2], $0x80, $0x38;
	[tilespmem:$0x200] =	vst v63  }
0x8e: {  	_ =	swait.ge [sflag:s3], $0x80  }
0x8f: {  	[sflag:s3] =	ssyncset.done $0x0  }
0x90: {  	[sflag:s3] =	ssyncadd.s32 $0xFFFFFF80  }
0x91: {  	v32 =	vld [tilespmem:$0xB0]  }
0x92: {  	v33 =	vld [tilespmem:$0xA0]  }
0x93: {  	v34 =	vld [tilespmem:$0x90]  }
0x94: {  	v35 =	vld [tilespmem:$0xD0]  }
0x95: {  	v36 =	vld [tilespmem:$0x80]  }
0x96: {  	v37 =	vld [tilespmem:$0xE0]  }
0x97: {  	v38 =	vld [tilespmem:$0xC0]  }
0x98: {  	v33 =	vmul.u32 $0x401, v33;
	v34 =	vmul.u32 $0x401, v34;
	v39 =	vld [tilespmem:$0xF0]  }
0x99: {  	v32 =	vmul.u32 $0x401, v32;
	v35 =	vmul.u32 $0x401, v35  }
0x9a: {  	v33 =	vadd.s32 v33, v18;
	v36 =	vmul.u32 $0x401, v36;
	v34 =	vadd.s32 v34, v17  }
0x9b: {  	v32 =	vadd.s32 v32, v19;
	v33 =	vand.u32 $0xFFF, v33;
	v35 =	vadd.s32 v35, v21  }
0x9c: {  	v32 =	vand.u32 $0xFFF, v32;
	v37 =	vmul.u32 $0x401, v37;
	[tilespmem:$0x120] =	vst v33;
	v33 =	vmul.u32 $0x401, v38  }
0x9d: {  	v36 =	vadd.s32 v36, v16;
	[tilespmem:$0x130] =	vst v32;
	v32 =	vand.u32 $0xFFF, v35;
	v35 =	vmul.u32 $0x401, v39  }
0x9e: {  	v36 =	vand.u32 $0xFFF, v36;
	v33 =	vadd.s32 v33, v20;
	[tilespmem:$0x150] =	vst v32;
	v32 =	vadd.s32 v37, v23  }
0x9f: {  	[tilespmem:$0x100] =	vst v36;
	v33 =	vand.u32 $0xFFF, v33;
	v32 =	vand.u32 $0xFFF, v32;
	v35 =	vadd.s32 v35, v22  }
0xa0: {  	v34 =	vand.u32 $0xFFF, v34;
	[tilespmem:$0x140] =	vst v33;
	v33 =	vand.u32 $0xFFF, v35  }
0xa1: {  	[tilespmem:$0x110] =	vst v34  }
0xa2: {  	[tilespmem:$0x170] =	vst v33  }
0xa3: {  	[tilespmem:$0x160] =	vst v32  }
0xa4: {  	[tilespmem:s5], [sflag:$0x1] =	stream.indirect.gather [hbm4b:s11+s4], $0x1, s7, s4, $0xb8;
	[tilespmem:$0x200] =	vst v63  }
0xa5: {  	_ =	swait.ge [sflag:s6], $0x80  }
0xa6: {  	[sflag:s6] =	ssyncset.done $0x0  }
0xa7: {  	[sflag:s6] =	ssyncadd.s32 $0xFFFFFF80  }
0xa8: {  	[hbm4b:s15+s2] =	stream.linear.scatter [tilespmem:s5], [sflag:$0x2], $0x80, $0x38;
	[tilespmem:$0x200] =	vst v63  }
.Ltmp1:
0xa9: {  	_ = 	snop;
	(pc) =	sbr.rel @p0 .LBB2_1-.Ltmp1, $4  }
0xaa: {  	_ =	swait.ge [sflag:s3], $0x80  }
0xab: {  	[sflag:s3] =	ssyncset.done $0x0  }
0xac: {  	[sflag:s3] =	ssyncadd.s32 $0xFFFFFF80  }
0xad: {  	v32 =	vld [tilespmem:$0x10]  }
.LBB2_2:
0xae: {  	v8 =	vld [tilespmem:$0x20]  }
0xaf: {  	v9 =	vld [tilespmem:$0x30]  }
0xb0: {  	v10 =	vld [tilespmem:$0x40]  }
0xb1: {  	v11 =	vld [tilespmem:$0x50]  }
0xb2: {  	v13 =	vld [tilespmem:$0x60];
	v12 =	vadd.s32 v31, v32  }
0xb3: {  	v14 =	vld [tilespmem:$0x70];
	v12 =	vand.u32 $0xFFF, v12;
	v8 =	vadd.s32 v30, v8  }
0xb4: {  	v15 =	vld [tilespmem:$0x0];
	v9 =	vadd.s32 v29, v9;
	[tilespmem:$0x110] =	vst v12;
	v8 =	vand.u32 $0xFFF, v8  }
0xb5: {  	v32 =	vadd.s32 v28, v10;
	v31 =	vand.u32 $0xFFF, v9;
	[tilespmem:$0x120] =	vst v8  }
0xb6: {  	v34 =	vadd.s32 v25, v11;
	v33 =	vand.u32 $0xFFF, v32;
	[tilespmem:$0x130] =	vst v31  }
0xb7: {  	v36 =	vadd.s32 v26, v13;
	v35 =	vand.u32 $0xFFF, v34;
	[tilespmem:$0x140] =	vst v33  }
0xb8: {  	v38 =	vadd.s32 v24, v14;
	v37 =	vand.u32 $0xFFF, v36;
	[tilespmem:$0x150] =	vst v35  }
0xb9: {  	v39 =	vadd.s32 v27, v15;
	v40 =	vand.u32 $0xFFF, v38;
	[tilespmem:$0x160] =	vst v37  }
0xba: {  	v41 =	vand.u32 $0xFFF, v39;
	[tilespmem:$0x170] =	vst v40  }
0xbb: {  	[tilespmem:$0x100] =	vst v41  }
0xbc: {  	[tilespmem:s5], [sflag:$0x1] =	stream.indirect.gather [hbm4b:s10+s4], $0x1, s7, s4, $0xb8;
	[tilespmem:$0x200] =	vst v63  }
0xbd: {  	_ =	swait.ge [sflag:s6], $0x80  }
0xbe: {  	[sflag:s6] =	ssyncset.done $0x0  }
0xbf: {  	[sflag:s6] =	ssyncadd.s32 $0xFFFFFF80  }
0xc0: {  	[hbm4b:s14+s2] =	stream.linear.scatter [tilespmem:s5], [sflag:$0x2], $0x80, $0x38;
	[tilespmem:$0x200] =	vst v63  }
0xc1: {  	_ =	swait.ge [sflag:s3], $0x80  }
0xc2: {  	[sflag:s3] =	ssyncset.done $0x0  }
0xc3: {  	[sflag:s3] =	ssyncadd.s32 $0xFFFFFF80  }
0xc4: {  	v42 =	vld [tilespmem:$0x80]  }
0xc5: {  	v43 =	vld [tilespmem:$0x90]  }
0xc6: {  	v44 =	vld [tilespmem:$0xA0]  }
0xc7: {  	v45 =	vld [tilespmem:$0xB0]  }
0xc8: {  	v46 =	vld [tilespmem:$0xC0]  }
0xc9: {  	v47 =	vld [tilespmem:$0xE0];
	v8 =	vshll.u32 v42, $0xA  }
0xca: {  	v48 =	vld [tilespmem:$0xF0];
	v9 =	vshll.u32 v43, $0xA;
	v8 =	vand.u32 $0xC00, v8  }
0xcb: {  	v51 =	vld [tilespmem:$0xD0];
	v50 =	vshll.u32 v44, $0xA;
	v49 =	vand.u32 $0xC00, v9;
	v4 =	vor.u32 v4, v8  }
0xcc: {  	v53 =	vshll.u32 v45, $0xA;
	v52 =	vand.u32 $0xC00, v50;
	v2 =	vor.u32 v2, v49;
	[tilespmem:$0x100] =	vst v4  }
0xcd: {  	v56 =	vshll.u32 v46, $0xA;
	v55 =	vand.u32 $0xC00, v53;
	v54 =	vor.u32 v5, v52;
	[tilespmem:$0x110] =	vst v2  }
0xce: {  	v59 =	vshll.u32 v47, $0xA;
	v58 =	vand.u32 $0xC00, v56;
	v57 =	vor.u32 v3, v55;
	[tilespmem:$0x120] =	vst v54  }
0xcf: {  	v62 =	vshll.u32 v48, $0xA;
	v61 =	vand.u32 $0xC00, v59;
	v60 =	vor.u32 v7, v58;
	[tilespmem:$0x130] =	vst v57  }
0xd0: {  	v63 =	vshll.u32 v51, $0xA;
	v3 =	vor.u32 v6, v61;
	[tilespmem:$0x140] =	vst v60;
	v4 =	vand.u32 $0xC00, v62  }
0xd1: {  	v2 =	vand.u32 $0xC00, v63;
	[tilespmem:$0x160] =	vst v3;
	v1 =	vor.u32 v1, v4  }
0xd2: {  	v0 =	vor.u32 v0, v2;
	[tilespmem:$0x170] =	vst v1  }
0xd3: {  	[tilespmem:$0x150] =	vst v0  }
0xd4: {  	[tilespmem:s5], [sflag:$0x1] =	stream.indirect.gather [hbm4b:s10+s4], $0x1, s7, s4, $0xb8;
	[tilespmem:$0x200] =	vst v63  }
0xd5: {  	_ =	swait.ge [sflag:s6], $0x80  }
0xd6: {  	[sflag:s6] =	ssyncset.done $0x0  }
0xd7: {  	[sflag:s6] =	ssyncadd.s32 $0xFFFFFF80  }
0xd8: {  	[hbm4b:s12+s2] =	stream.linear.scatter [tilespmem:s5], [sflag:$0x2], $0x80, $0x38;
	[tilespmem:$0x200] =	vst v63  }
0xd9: {  	_ =	swait.ge [sflag:s3], $0x80  }
0xda: {  	[sflag:s3] =	ssyncset.done $0x0  }
0xdb: {  	[sflag:s3] =	ssyncadd.s32 $0xFFFFFF80  }
0xdc: {  	_ =	sfence.sel $0x180000  }
0xdd: {  	[bflag:$0x0] =	sbarrier.arrive $0xFFFF  }
0xde: {  	p0 =	sne.s32 s0, $0x0;
	_ =	strace $0x90000047  }
0xdf: {  	s0 =	sadd.s32 @!p0 $0x100000, s1;
	[bflag:$0x2] =	sbarrier.arrive $0xFFFF  }
0xe0: {  	[sflag:s0] =	ssyncadd.tile.s32 @!p0 $0x1;
	_ =	shalt  }
.Lfunc_end2:
_tile_overlayer_lowered:
.L_overlay_start_2:
0xe1: {  	(tag) =	ssettag $0x2  }
0xe2: {  	s0 =	rddreg [dreg:$0x0];
	s2 =	stileid.u32  }
0xe3: {  	s1 =	rddreg [dreg:$0x1];
	p0 =	sne.s32 s2, $0x0  }
0xe4: {  	s3 =	rddreg [dreg:$0x2];
	[bflag:$0x3] =	sbarrier.arrive $0xFFFF;
	s2 =	simm.s32 @!p0 $0x1C02  }
0xe5: {  	[timem:s3], [sflag:s2] =	dma.local @!p0 [hbm:s0], s1  }
0xe6: {  	s0 =	simm.s32 @!p0 $0x2  }
0xe7: {  	_ =	swait.ge @!p0 [sflag:s0], s1  }
0xe8: {  	s1 =	ssub.s32 @!p0 $0x0, s1;
	[sflag:s0] =	ssyncset.done @!p0 $0x0  }
0xe9: {  	[sflag:s0] =	ssyncadd.s32 @!p0 s1  }
0xea: {  	[bflag:$0x3] =	sbarrier.arrive $0xFFFF  }
0xeb: {  	_ =	shalt  }

</sc_bundles>
